<compile_context>
chip_gen: v7x
topology: tpu7x:2x2x1
jax: 0.10.2.dev20260603
libtpu: 0.0.44.dev20260713+nightly
codegen_flags: <defaults>
</compile_context>

<pallas_src>
import functools

import jax
import jax.numpy as jnp
from jax import lax
from jax.experimental import pallas as pl
from jax.experimental.pallas import tpu as pltpu
from jax.experimental.pallas import tpu_sc as plsc

N = 100000
K = 64
B = 1024

NC = 2
NS = 16
L = 16
NW = NC * NS
BPW = B // NW
RPW = 2 * K // NW

_mesh = plsc.VectorSubcoreMesh(core_axis_name="c", subcore_axis_name="s")


@functools.partial(
    pl.kernel,
    out_type=[
        jax.ShapeDtypeStruct((K, B), jnp.float32),
        jax.ShapeDtypeStruct((K, B), jnp.float32),
        jax.ShapeDtypeStruct((B,), jnp.float32),
        jax.ShapeDtypeStruct((B,), jnp.float32),
    ],
    mesh=_mesh,
    compiler_params=pltpu.CompilerParams(needs_layout_passes=False),
    scratch_types=[
        pltpu.VMEM((B,), jnp.int32),
        pltpu.VMEM((N,), jnp.float32),
        pltpu.VMEM((B,), jnp.float32),
        pltpu.VMEM((B,), jnp.float32),
        pltpu.VMEM((BPW,), jnp.float32),
        pltpu.VMEM((BPW,), jnp.float32),
        pltpu.SemaphoreType.DMA,
        pltpu.SemaphoreType.DMA,
    ],
)
def _sc_encoder(idx_hbm, wpm_hbm, wpl_hbm, whm_hbm, whl_hbm,
                pm_hbm, pv_hbm, hm_hbm, hv_hbm,
                idx_v, row_v, exta_v, extb_v, hm_v, hv_v, sem, semw):
    wid = lax.axis_index("s") * NC + lax.axis_index("c")
    base_b = wid * BPW

    pltpu.sync_copy(idx_hbm, idx_v)

    hcps = [
        pltpu.async_copy(whm_hbm.at[0].at[idx_v.at[pl.ds(base_b, BPW)]],
                         hm_v, sem),
        pltpu.async_copy(whl_hbm.at[0].at[idx_v.at[pl.ds(base_b, BPW)]],
                         hv_v, sem),
    ]

    wcps = []
    for t in range(RPW):
        src = (wpm_hbm, wpm_hbm, wpl_hbm, wpl_hbm)[t]
        dst = (pm_hbm, pm_hbm, pv_hbm, pv_hbm)[t]
        ext_v = (exta_v, extb_v)[t % 2]
        k = wid + (t % 2) * NW
        pltpu.sync_copy(src.at[k], row_v)

        def extract(j, carry, apply_exp=(t >= 2), ext_v=ext_v):
            base = pl.multiple_of(j * L, L)
            iv = idx_v[pl.ds(base, L)]
            x = plsc.load_gather(row_v, [iv])
            if apply_exp:
                x = jnp.exp(x * 2.0)
            ext_v[pl.ds(base, L)] = x
            return carry

        lax.fori_loop(0, B // L, extract, 0, unroll=4)
        if len(wcps) >= 2:
            wcps[t - 2].wait()
        wcps.append(pltpu.async_copy(ext_v, dst.at[k], semw))

    for cp in hcps:
        cp.wait()
    for i in range(BPW // L):
        hv_v[pl.ds(i * L, L)] = jnp.exp(hv_v[pl.ds(i * L, L)] * 2.0)
    pltpu.sync_copy(hm_v, hm_hbm.at[pl.ds(base_b, BPW)])
    pltpu.sync_copy(hv_v, hv_hbm.at[pl.ds(base_b, BPW)])
    for cp in wcps[-2:]:
        cp.wait()


def kernel(indices, W_pos_mean, W_pos_logvar, W_het_mean, W_het_logvar):
    idx = indices.astype(jnp.int32)
    pm_t, pv_t, hm, hv = _sc_encoder(
        idx, W_pos_mean, W_pos_logvar, W_het_mean, W_het_logvar,
    )
    return (
        pm_t.T,
        pv_t.T,
        hm.reshape(B, 1),
        hv.reshape(B, 1),
    )

# --- scband reference (transcript-rebuilt; emitter-appended) ---
"""Pipeline reference for scband-encoder-78718160601171 (READ-ONLY COPY).

The authoritative reference and input builder live on the scoring server;
editing this copy changes nothing except your own understanding.
"""

import jax, jax.numpy as jnp
import numpy as np

N = 100000
K = 64
B = 1024

def setup_inputs(seed: int = 0) -> dict:
    key = jax.random.key(seed)
    k1, k2, k3, k4, k5 = jax.random.split(key, 5)
    indices = jax.random.randint(k1, (B,), 0, N)
    # nn.Linear(N, K, bias=False).weight has shape [K, N]
    W_pos_mean = jax.random.normal(k2, (K, N), dtype=jnp.float32) * 0.02
    W_pos_logvar = jax.random.normal(k3, (K, N), dtype=jnp.float32) * 0.02
    W_het_mean = jax.random.normal(k4, (1, N), dtype=jnp.float32) * 0.02
    W_het_logvar = jax.random.normal(k5, (1, N), dtype=jnp.float32) * 0.02
    return {"indices": indices, "W_pos_mean": W_pos_mean, "W_pos_logvar": W_pos_logvar, "W_het_mean": W_het_mean, "W_het_logvar": W_het_logvar}

def reference(indices, W_pos_mean, W_pos_logvar, W_het_mean, W_het_logvar):
    one_hot = jax.nn.one_hot(indices.astype(jnp.int64), N, dtype=jnp.float32)
    # PriorEncoder (N, K): mean = one_hot @ W^T ; var = exp(2 * (one_hot @ W_lv^T))
    pm = one_hot @ W_pos_mean.T
    pv = jnp.exp((one_hot @ W_pos_logvar.T) * 2.0)
    # PriorEncoder (N, 1)
    hm = one_hot @ W_het_mean.T
    hv = jnp.exp((one_hot @ W_het_logvar.T) * 2.0)
    return (pm, pv, hm, hv)

if __name__ == "__main__":
    import jax
    _d = setup_inputs()
    print(jax.jit(kernel)(*tuple(_d.values())))

</pallas_src>

<mosaic_0001>
#map = affine_map<(d0, d1) -> (0)>
#map1 = affine_map<(d0, d1) -> (0, 0)>
module attributes {stable_mosaic.version = 14 : i64} {
  func.func @_sc_encoder(%arg0: i32, %arg1: i32, %arg2: memref<1024xi32, #tpu.memory_space<hbm>>, %arg3: memref<64x100000xf32, #tpu.memory_space<hbm>>, %arg4: memref<64x100000xf32, #tpu.memory_space<hbm>>, %arg5: memref<1x100000xf32, #tpu.memory_space<hbm>>, %arg6: memref<1x100000xf32, #tpu.memory_space<hbm>>, %arg7: memref<64x1024xf32, #tpu.memory_space<hbm>>, %arg8: memref<64x1024xf32, #tpu.memory_space<hbm>>, %arg9: memref<1024xf32, #tpu.memory_space<hbm>>, %arg10: memref<1024xf32, #tpu.memory_space<hbm>>, %arg11: memref<1024xi32, #tpu.memory_space<vmem>>, %arg12: memref<100000xf32, #tpu.memory_space<vmem>>, %arg13: memref<1024xf32, #tpu.memory_space<vmem>>, %arg14: memref<1024xf32, #tpu.memory_space<vmem>>, %arg15: memref<32xf32, #tpu.memory_space<vmem>>, %arg16: memref<32xf32, #tpu.memory_space<vmem>>, %arg17: memref<!tpu.dma_semaphore, #tpu.memory_space<semaphore_mem>>, %arg18: memref<!tpu.dma_semaphore, #tpu.memory_space<semaphore_mem>>) attributes {dimension_semantics = [#tpu.dimension_semantics<core_parallel>, #tpu.dimension_semantics<subcore_parallel>], iteration_bounds = array<i64: 2, 16>, scalar_prefetch = 0 : i64, scratch_operands = 8 : i64, tpu.core_type = #tpu.core_type<sc_vector_subcore>, window_params = [{transform_indices = #map}, {transform_indices = #map1}, {transform_indices = #map1}, {transform_indices = #map1}, {transform_indices = #map1}, {transform_indices = #map1}, {transform_indices = #map1}, {transform_indices = #map}, {transform_indices = #map}]} {
    %mul3A = arith.constant 2 : i32
    %mul3A_0 = arith.muli %arg1, %mul3A : i32
    %add3A = arith.addi %mul3A_0, %arg0 : i32
    %mul3A_1 = arith.constant 32 : i32
    %mul3A_2 = arith.muli %add3A, %mul3A_1 : i32
    "tpu.region"() ({
      %run_scoped3A = tpu.sem_alloc : memref<!tpu.dma_semaphore, #tpu.memory_space<semaphore_mem>>
      tpu.enqueue_dma source(%arg2 : memref<1024xi32, #tpu.memory_space<hbm>>) target(%arg11 : memref<1024xi32, #tpu.memory_space<vmem>>) target_semaphore(%run_scoped3A : memref<!tpu.dma_semaphore, #tpu.memory_space<semaphore_mem>>)
      tpu.wait_dma2 semaphore(%run_scoped3A : memref<!tpu.dma_semaphore, #tpu.memory_space<semaphore_mem>>) src(%arg2 : memref<1024xi32, #tpu.memory_space<hbm>>) dst(%arg11 : memref<1024xi32, #tpu.memory_space<vmem>>)
      tpu.yield
    }) : () -> ()
    %dma_start3A = arith.constant 0 : i32
    %dma_start3A_3 = tpu.memref_slice %arg11[%mul3A_2] : memref<1024xi32, #tpu.memory_space<vmem>> -> memref<32xi32, #tpu.memory_space<vmem>>
    %dma_start3A_4 = arith.constant 0 : i32
    %dma_start3A_5 = tpu.memref_slice %arg5[%dma_start3A, %dma_start3A_4] : memref<1x100000xf32, #tpu.memory_space<hbm>> -> memref<1x100000xf32, #tpu.memory_space<hbm>>
    %dma_start3A_6 = tpu.memref_squeeze %dma_start3A_5 : memref<1x100000xf32, #tpu.memory_space<hbm>> -> memref<100000xf32, #tpu.memory_space<hbm>>
    %dma_start3A_7 = arith.constant 0 : i32
    %dma_start3A_8 = tpu.memref_slice %dma_start3A_6[%dma_start3A_7] : memref<100000xf32, #tpu.memory_space<hbm>> -> memref<100000xf32, #tpu.memory_space<hbm>>
    tpu.enqueue_indirect_dma source(%dma_start3A_8 : memref<100000xf32, #tpu.memory_space<hbm>>) target(%arg15 : memref<32xf32, #tpu.memory_space<vmem>>) offsets(%dma_start3A_3 : memref<32xi32, #tpu.memory_space<vmem>>) semaphore(%arg17 : memref<!tpu.dma_semaphore, #tpu.memory_space<semaphore_mem>>)
    %dma_start3A_9 = arith.constant 0 : i32
    %dma_start3A_10 = tpu.memref_slice %arg11[%mul3A_2] : memref<1024xi32, #tpu.memory_space<vmem>> -> memref<32xi32, #tpu.memory_space<vmem>>
    %dma_start3A_11 = arith.constant 0 : i32
    %dma_start3A_12 = tpu.memref_slice %arg6[%dma_start3A_9, %dma_start3A_11] : memref<1x100000xf32, #tpu.memory_space<hbm>> -> memref<1x100000xf32, #tpu.memory_space<hbm>>
    %dma_start3A_13 = tpu.memref_squeeze %dma_start3A_12 : memref<1x100000xf32, #tpu.memory_space<hbm>> -> memref<100000xf32, #tpu.memory_space<hbm>>
    %dma_start3A_14 = arith.constant 0 : i32
    %dma_start3A_15 = tpu.memref_slice %dma_start3A_13[%dma_start3A_14] : memref<100000xf32, #tpu.memory_space<hbm>> -> memref<100000xf32, #tpu.memory_space<hbm>>
    tpu.enqueue_indirect_dma source(%dma_start3A_15 : memref<100000xf32, #tpu.memory_space<hbm>>) target(%arg16 : memref<32xf32, #tpu.memory_space<vmem>>) offsets(%dma_start3A_10 : memref<32xi32, #tpu.memory_space<vmem>>) semaphore(%arg17 : memref<!tpu.dma_semaphore, #tpu.memory_space<semaphore_mem>>)
    %add3A_16 = arith.constant 0 : i32
    %add3A_17 = arith.addi %add3A, %add3A_16 : i32
    "tpu.region"() ({
      %run_scoped3A = tpu.sem_alloc : memref<!tpu.dma_semaphore, #tpu.memory_space<semaphore_mem>>
      %dma_start3A_121 = arith.constant 0 : i32
      %dma_start3A_122 = tpu.memref_slice %arg3[%add3A_17, %dma_start3A_121] : memref<64x100000xf32, #tpu.memory_space<hbm>> -> memref<1x100000xf32, #tpu.memory_space<hbm>>
      %dma_start3A_123 = tpu.memref_squeeze %dma_start3A_122 : memref<1x100000xf32, #tpu.memory_space<hbm>> -> memref<100000xf32, #tpu.memory_space<hbm>>
      %dma_start3A_124 = arith.constant 0 : i32
      %dma_start3A_125 = tpu.memref_slice %arg3[%add3A_17, %dma_start3A_124] : memref<64x100000xf32, #tpu.memory_space<hbm>> -> memref<1x100000xf32, #tpu.memory_space<hbm>>
      %dma_start3A_126 = tpu.memref_squeeze %dma_start3A_125 : memref<1x100000xf32, #tpu.memory_space<hbm>> -> memref<100000xf32, #tpu.memory_space<hbm>>
      tpu.enqueue_dma source(%dma_start3A_126 : memref<100000xf32, #tpu.memory_space<hbm>>) target(%arg12 : memref<100000xf32, #tpu.memory_space<vmem>>) target_semaphore(%run_scoped3A : memref<!tpu.dma_semaphore, #tpu.memory_space<semaphore_mem>>)
      %dma_wait3A_127 = arith.constant 0 : i32
      %dma_wait3A_128 = tpu.memref_slice %arg3[%add3A_17, %dma_wait3A_127] : memref<64x100000xf32, #tpu.memory_space<hbm>> -> memref<1x100000xf32, #tpu.memory_space<hbm>>
      %dma_wait3A_129 = tpu.memref_squeeze %dma_wait3A_128 : memref<1x100000xf32, #tpu.memory_space<hbm>> -> memref<100000xf32, #tpu.memory_space<hbm>>
      %dma_wait3A_130 = arith.constant 0 : i32
      %dma_wait3A_131 = tpu.memref_slice %arg3[%add3A_17, %dma_wait3A_130] : memref<64x100000xf32, #tpu.memory_space<hbm>> -> memref<1x100000xf32, #tpu.memory_space<hbm>>
      %dma_wait3A_132 = tpu.memref_squeeze %dma_wait3A_131 : memref<1x100000xf32, #tpu.memory_space<hbm>> -> memref<100000xf32, #tpu.memory_space<hbm>>
      tpu.wait_dma2 semaphore(%run_scoped3A : memref<!tpu.dma_semaphore, #tpu.memory_space<semaphore_mem>>) src(%dma_wait3A_132 : memref<100000xf32, #tpu.memory_space<hbm>>) dst(%arg12 : memref<100000xf32, #tpu.memory_space<vmem>>)
      tpu.yield
    }) : () -> ()
    %scan3A = arith.constant 0 : i32
    %scan3A_18 = arith.constant 0 : i32
    %scan3A_19 = arith.constant 64 : i32
    %scan3A_20 = arith.addi %scan3A_18, %scan3A_19 : i32
    %scan3A_21 = arith.constant 4 : i32
    scf.for %scan3A_121 = %scan3A_18 to %scan3A_20 step %scan3A_21  : i32 {
      %mul3A_122 = arith.constant 16 : i32
      %mul3A_123 = arith.muli %scan3A_121, %mul3A_122 : i32
      %multiple_of3A = tpu.assume_multiple %mul3A_123, 16 : i32
      %get3A_124 = arith.index_cast %multiple_of3A : i32 to index
      %get3A_125 = tpu.vector_load %arg11[%get3A_124] {strides = array<i32>} : memref<1024xi32, #tpu.memory_space<vmem>>, vector<16xi32>,
      %gather3A = tpu.vector_load_idx %arg12[%get3A_125] : memref<100000xf32, #tpu.memory_space<vmem>>[vector<16xi32>], vector<16xf32>,
      %swap3A_126 = arith.index_cast %multiple_of3A : i32 to index
      %swap3A_127 = tpu.vector_load %arg13[%swap3A_126] {strides = array<i32>} : memref<1024xf32, #tpu.memory_space<vmem>>, vector<16xf32>,
      tpu.vector_store %arg13[%swap3A_126], %gather3A {strides = array<i32>} : memref<1024xf32, #tpu.memory_space<vmem>>, vector<16xf32>,
      %scan3A_128 = arith.constant 1 : i32
      %scan3A_129 = arith.addi %scan3A_121, %scan3A_128 : i32
      %mul3A_130 = arith.constant 16 : i32
      %mul3A_131 = arith.muli %scan3A_129, %mul3A_130 : i32
      %multiple_of3A_132 = tpu.assume_multiple %mul3A_131, 16 : i32
      %get3A_133 = arith.index_cast %multiple_of3A_132 : i32 to index
      %get3A_134 = tpu.vector_load %arg11[%get3A_133] {strides = array<i32>} : memref<1024xi32, #tpu.memory_space<vmem>>, vector<16xi32>,
      %gather3A_135 = tpu.vector_load_idx %arg12[%get3A_134] : memref<100000xf32, #tpu.memory_space<vmem>>[vector<16xi32>], vector<16xf32>,
      %swap3A_136 = arith.index_cast %multiple_of3A_132 : i32 to index
      %swap3A_137 = tpu.vector_load %arg13[%swap3A_136] {strides = array<i32>} : memref<1024xf32, #tpu.memory_space<vmem>>, vector<16xf32>,
      tpu.vector_store %arg13[%swap3A_136], %gather3A_135 {strides = array<i32>} : memref<1024xf32, #tpu.memory_space<vmem>>, vector<16xf32>,
      %scan3A_138 = arith.constant 2 : i32
      %scan3A_139 = arith.addi %scan3A_121, %scan3A_138 : i32
      %mul3A_140 = arith.constant 16 : i32
      %mul3A_141 = arith.muli %scan3A_139, %mul3A_140 : i32
      %multiple_of3A_142 = tpu.assume_multiple %mul3A_141, 16 : i32
      %get3A_143 = arith.index_cast %multiple_of3A_142 : i32 to index
      %get3A_144 = tpu.vector_load %arg11[%get3A_143] {strides = array<i32>} : memref<1024xi32, #tpu.memory_space<vmem>>, vector<16xi32>,
      %gather3A_145 = tpu.vector_load_idx %arg12[%get3A_144] : memref<100000xf32, #tpu.memory_space<vmem>>[vector<16xi32>], vector<16xf32>,
      %swap3A_146 = arith.index_cast %multiple_of3A_142 : i32 to index
      %swap3A_147 = tpu.vector_load %arg13[%swap3A_146] {strides = array<i32>} : memref<1024xf32, #tpu.memory_space<vmem>>, vector<16xf32>,
      tpu.vector_store %arg13[%swap3A_146], %gather3A_145 {strides = array<i32>} : memref<1024xf32, #tpu.memory_space<vmem>>, vector<16xf32>,
      %scan3A_148 = arith.constant 3 : i32
      %scan3A_149 = arith.addi %scan3A_121, %scan3A_148 : i32
      %mul3A_150 = arith.constant 16 : i32
      %mul3A_151 = arith.muli %scan3A_149, %mul3A_150 : i32
      %multiple_of3A_152 = tpu.assume_multiple %mul3A_151, 16 : i32
      %get3A_153 = arith.index_cast %multiple_of3A_152 : i32 to index
      %get3A_154 = tpu.vector_load %arg11[%get3A_153] {strides = array<i32>} : memref<1024xi32, #tpu.memory_space<vmem>>, vector<16xi32>,
      %gather3A_155 = tpu.vector_load_idx %arg12[%get3A_154] : memref<100000xf32, #tpu.memory_space<vmem>>[vector<16xi32>], vector<16xf32>,
      %swap3A_156 = arith.index_cast %multiple_of3A_152 : i32 to index
      %swap3A_157 = tpu.vector_load %arg13[%swap3A_156] {strides = array<i32>} : memref<1024xf32, #tpu.memory_space<vmem>>, vector<16xf32>,
      tpu.vector_store %arg13[%swap3A_156], %gather3A_155 {strides = array<i32>} : memref<1024xf32, #tpu.memory_space<vmem>>, vector<16xf32>,
    }
    %scan3A_22 = arith.constant 64 : i32
    %dma_start3A_23 = arith.constant 0 : i32
    %dma_start3A_24 = tpu.memref_slice %arg7[%add3A_17, %dma_start3A_23] : memref<64x1024xf32, #tpu.memory_space<hbm>> -> memref<1x1024xf32, #tpu.memory_space<hbm>>
    %dma_start3A_25 = tpu.memref_squeeze %dma_start3A_24 : memref<1x1024xf32, #tpu.memory_space<hbm>> -> memref<1024xf32, #tpu.memory_space<hbm>>
    %dma_start3A_26 = arith.constant 0 : i32
    %dma_start3A_27 = tpu.memref_slice %arg7[%add3A_17, %dma_start3A_26] : memref<64x1024xf32, #tpu.memory_space<hbm>> -> memref<1x1024xf32, #tpu.memory_space<hbm>>
    %dma_start3A_28 = tpu.memref_squeeze %dma_start3A_27 : memref<1x1024xf32, #tpu.memory_space<hbm>> -> memref<1024xf32, #tpu.memory_space<hbm>>
    tpu.enqueue_dma source(%arg13 : memref<1024xf32, #tpu.memory_space<vmem>>) target(%dma_start3A_28 : memref<1024xf32, #tpu.memory_space<hbm>>) target_semaphore(%arg18 : memref<!tpu.dma_semaphore, #tpu.memory_space<semaphore_mem>>)
    %add3A_29 = arith.constant 32 : i32
    %add3A_30 = arith.addi %add3A, %add3A_29 : i32
    "tpu.region"() ({
      %run_scoped3A = tpu.sem_alloc : memref<!tpu.dma_semaphore, #tpu.memory_space<semaphore_mem>>
      %dma_start3A_121 = arith.constant 0 : i32
      %dma_start3A_122 = tpu.memref_slice %arg3[%add3A_30, %dma_start3A_121] : memref<64x100000xf32, #tpu.memory_space<hbm>> -> memref<1x100000xf32, #tpu.memory_space<hbm>>
      %dma_start3A_123 = tpu.memref_squeeze %dma_start3A_122 : memref<1x100000xf32, #tpu.memory_space<hbm>> -> memref<100000xf32, #tpu.memory_space<hbm>>
      %dma_start3A_124 = arith.constant 0 : i32
      %dma_start3A_125 = tpu.memref_slice %arg3[%add3A_30, %dma_start3A_124] : memref<64x100000xf32, #tpu.memory_space<hbm>> -> memref<1x100000xf32, #tpu.memory_space<hbm>>
      %dma_start3A_126 = tpu.memref_squeeze %dma_start3A_125 : memref<1x100000xf32, #tpu.memory_space<hbm>> -> memref<100000xf32, #tpu.memory_space<hbm>>
      tpu.enqueue_dma source(%dma_start3A_126 : memref<100000xf32, #tpu.memory_space<hbm>>) target(%arg12 : memref<100000xf32, #tpu.memory_space<vmem>>) target_semaphore(%run_scoped3A : memref<!tpu.dma_semaphore, #tpu.memory_space<semaphore_mem>>)
      %dma_wait3A_127 = arith.constant 0 : i32
      %dma_wait3A_128 = tpu.memref_slice %arg3[%add3A_30, %dma_wait3A_127] : memref<64x100000xf32, #tpu.memory_space<hbm>> -> memref<1x100000xf32, #tpu.memory_space<hbm>>
      %dma_wait3A_129 = tpu.memref_squeeze %dma_wait3A_128 : memref<1x100000xf32, #tpu.memory_space<hbm>> -> memref<100000xf32, #tpu.memory_space<hbm>>
      %dma_wait3A_130 = arith.constant 0 : i32
      %dma_wait3A_131 = tpu.memref_slice %arg3[%add3A_30, %dma_wait3A_130] : memref<64x100000xf32, #tpu.memory_space<hbm>> -> memref<1x100000xf32, #tpu.memory_space<hbm>>
      %dma_wait3A_132 = tpu.memref_squeeze %dma_wait3A_131 : memref<1x100000xf32, #tpu.memory_space<hbm>> -> memref<100000xf32, #tpu.memory_space<hbm>>
      tpu.wait_dma2 semaphore(%run_scoped3A : memref<!tpu.dma_semaphore, #tpu.memory_space<semaphore_mem>>) src(%dma_wait3A_132 : memref<100000xf32, #tpu.memory_space<hbm>>) dst(%arg12 : memref<100000xf32, #tpu.memory_space<vmem>>)
      tpu.yield
    }) : () -> ()
    %scan3A_31 = arith.constant 0 : i32
    %scan3A_32 = arith.constant 0 : i32
    %scan3A_33 = arith.constant 64 : i32
    %scan3A_34 = arith.addi %scan3A_32, %scan3A_33 : i32
    %scan3A_35 = arith.constant 4 : i32
    scf.for %scan3A_121 = %scan3A_32 to %scan3A_34 step %scan3A_35  : i32 {
      %mul3A_122 = arith.constant 16 : i32
      %mul3A_123 = arith.muli %scan3A_121, %mul3A_122 : i32
      %multiple_of3A = tpu.assume_multiple %mul3A_123, 16 : i32
      %get3A_124 = arith.index_cast %multiple_of3A : i32 to index
      %get3A_125 = tpu.vector_load %arg11[%get3A_124] {strides = array<i32>} : memref<1024xi32, #tpu.memory_space<vmem>>, vector<16xi32>,
      %gather3A = tpu.vector_load_idx %arg12[%get3A_125] : memref<100000xf32, #tpu.memory_space<vmem>>[vector<16xi32>], vector<16xf32>,
      %swap3A_126 = arith.index_cast %multiple_of3A : i32 to index
      %swap3A_127 = tpu.vector_load %arg14[%swap3A_126] {strides = array<i32>} : memref<1024xf32, #tpu.memory_space<vmem>>, vector<16xf32>,
      tpu.vector_store %arg14[%swap3A_126], %gather3A {strides = array<i32>} : memref<1024xf32, #tpu.memory_space<vmem>>, vector<16xf32>,
      %scan3A_128 = arith.constant 1 : i32
      %scan3A_129 = arith.addi %scan3A_121, %scan3A_128 : i32
      %mul3A_130 = arith.constant 16 : i32
      %mul3A_131 = arith.muli %scan3A_129, %mul3A_130 : i32
      %multiple_of3A_132 = tpu.assume_multiple %mul3A_131, 16 : i32
      %get3A_133 = arith.index_cast %multiple_of3A_132 : i32 to index
      %get3A_134 = tpu.vector_load %arg11[%get3A_133] {strides = array<i32>} : memref<1024xi32, #tpu.memory_space<vmem>>, vector<16xi32>,
      %gather3A_135 = tpu.vector_load_idx %arg12[%get3A_134] : memref<100000xf32, #tpu.memory_space<vmem>>[vector<16xi32>], vector<16xf32>,
      %swap3A_136 = arith.index_cast %multiple_of3A_132 : i32 to index
      %swap3A_137 = tpu.vector_load %arg14[%swap3A_136] {strides = array<i32>} : memref<1024xf32, #tpu.memory_space<vmem>>, vector<16xf32>,
      tpu.vector_store %arg14[%swap3A_136], %gather3A_135 {strides = array<i32>} : memref<1024xf32, #tpu.memory_space<vmem>>, vector<16xf32>,
      %scan3A_138 = arith.constant 2 : i32
      %scan3A_139 = arith.addi %scan3A_121, %scan3A_138 : i32
      %mul3A_140 = arith.constant 16 : i32
      %mul3A_141 = arith.muli %scan3A_139, %mul3A_140 : i32
      %multiple_of3A_142 = tpu.assume_multiple %mul3A_141, 16 : i32
      %get3A_143 = arith.index_cast %multiple_of3A_142 : i32 to index
      %get3A_144 = tpu.vector_load %arg11[%get3A_143] {strides = array<i32>} : memref<1024xi32, #tpu.memory_space<vmem>>, vector<16xi32>,
      %gather3A_145 = tpu.vector_load_idx %arg12[%get3A_144] : memref<100000xf32, #tpu.memory_space<vmem>>[vector<16xi32>], vector<16xf32>,
      %swap3A_146 = arith.index_cast %multiple_of3A_142 : i32 to index
      %swap3A_147 = tpu.vector_load %arg14[%swap3A_146] {strides = array<i32>} : memref<1024xf32, #tpu.memory_space<vmem>>, vector<16xf32>,
      tpu.vector_store %arg14[%swap3A_146], %gather3A_145 {strides = array<i32>} : memref<1024xf32, #tpu.memory_space<vmem>>, vector<16xf32>,
      %scan3A_148 = arith.constant 3 : i32
      %scan3A_149 = arith.addi %scan3A_121, %scan3A_148 : i32
      %mul3A_150 = arith.constant 16 : i32
      %mul3A_151 = arith.muli %scan3A_149, %mul3A_150 : i32
      %multiple_of3A_152 = tpu.assume_multiple %mul3A_151, 16 : i32
      %get3A_153 = arith.index_cast %multiple_of3A_152 : i32 to index
      %get3A_154 = tpu.vector_load %arg11[%get3A_153] {strides = array<i32>} : memref<1024xi32, #tpu.memory_space<vmem>>, vector<16xi32>,
      %gather3A_155 = tpu.vector_load_idx %arg12[%get3A_154] : memref<100000xf32, #tpu.memory_space<vmem>>[vector<16xi32>], vector<16xf32>,
      %swap3A_156 = arith.index_cast %multiple_of3A_152 : i32 to index
      %swap3A_157 = tpu.vector_load %arg14[%swap3A_156] {strides = array<i32>} : memref<1024xf32, #tpu.memory_space<vmem>>, vector<16xf32>,
      tpu.vector_store %arg14[%swap3A_156], %gather3A_155 {strides = array<i32>} : memref<1024xf32, #tpu.memory_space<vmem>>, vector<16xf32>,
    }
    %scan3A_36 = arith.constant 64 : i32
    %dma_start3A_37 = arith.constant 0 : i32
    %dma_start3A_38 = tpu.memref_slice %arg7[%add3A_30, %dma_start3A_37] : memref<64x1024xf32, #tpu.memory_space<hbm>> -> memref<1x1024xf32, #tpu.memory_space<hbm>>
    %dma_start3A_39 = tpu.memref_squeeze %dma_start3A_38 : memref<1x1024xf32, #tpu.memory_space<hbm>> -> memref<1024xf32, #tpu.memory_space<hbm>>
    %dma_start3A_40 = arith.constant 0 : i32
    %dma_start3A_41 = tpu.memref_slice %arg7[%add3A_30, %dma_start3A_40] : memref<64x1024xf32, #tpu.memory_space<hbm>> -> memref<1x1024xf32, #tpu.memory_space<hbm>>
    %dma_start3A_42 = tpu.memref_squeeze %dma_start3A_41 : memref<1x1024xf32, #tpu.memory_space<hbm>> -> memref<1024xf32, #tpu.memory_space<hbm>>
    tpu.enqueue_dma source(%arg14 : memref<1024xf32, #tpu.memory_space<vmem>>) target(%dma_start3A_42 : memref<1024xf32, #tpu.memory_space<hbm>>) target_semaphore(%arg18 : memref<!tpu.dma_semaphore, #tpu.memory_space<semaphore_mem>>)
    %add3A_43 = arith.constant 0 : i32
    %add3A_44 = arith.addi %add3A, %add3A_43 : i32
    "tpu.region"() ({
      %run_scoped3A = tpu.sem_alloc : memref<!tpu.dma_semaphore, #tpu.memory_space<semaphore_mem>>
      %dma_start3A_121 = arith.constant 0 : i32
      %dma_start3A_122 = tpu.memref_slice %arg4[%add3A_44, %dma_start3A_121] : memref<64x100000xf32, #tpu.memory_space<hbm>> -> memref<1x100000xf32, #tpu.memory_space<hbm>>
      %dma_start3A_123 = tpu.memref_squeeze %dma_start3A_122 : memref<1x100000xf32, #tpu.memory_space<hbm>> -> memref<100000xf32, #tpu.memory_space<hbm>>
      %dma_start3A_124 = arith.constant 0 : i32
      %dma_start3A_125 = tpu.memref_slice %arg4[%add3A_44, %dma_start3A_124] : memref<64x100000xf32, #tpu.memory_space<hbm>> -> memref<1x100000xf32, #tpu.memory_space<hbm>>
      %dma_start3A_126 = tpu.memref_squeeze %dma_start3A_125 : memref<1x100000xf32, #tpu.memory_space<hbm>> -> memref<100000xf32, #tpu.memory_space<hbm>>
      tpu.enqueue_dma source(%dma_start3A_126 : memref<100000xf32, #tpu.memory_space<hbm>>) target(%arg12 : memref<100000xf32, #tpu.memory_space<vmem>>) target_semaphore(%run_scoped3A : memref<!tpu.dma_semaphore, #tpu.memory_space<semaphore_mem>>)
      %dma_wait3A_127 = arith.constant 0 : i32
      %dma_wait3A_128 = tpu.memref_slice %arg4[%add3A_44, %dma_wait3A_127] : memref<64x100000xf32, #tpu.memory_space<hbm>> -> memref<1x100000xf32, #tpu.memory_space<hbm>>
      %dma_wait3A_129 = tpu.memref_squeeze %dma_wait3A_128 : memref<1x100000xf32, #tpu.memory_space<hbm>> -> memref<100000xf32, #tpu.memory_space<hbm>>
      %dma_wait3A_130 = arith.constant 0 : i32
      %dma_wait3A_131 = tpu.memref_slice %arg4[%add3A_44, %dma_wait3A_130] : memref<64x100000xf32, #tpu.memory_space<hbm>> -> memref<1x100000xf32, #tpu.memory_space<hbm>>
      %dma_wait3A_132 = tpu.memref_squeeze %dma_wait3A_131 : memref<1x100000xf32, #tpu.memory_space<hbm>> -> memref<100000xf32, #tpu.memory_space<hbm>>
      tpu.wait_dma2 semaphore(%run_scoped3A : memref<!tpu.dma_semaphore, #tpu.memory_space<semaphore_mem>>) src(%dma_wait3A_132 : memref<100000xf32, #tpu.memory_space<hbm>>) dst(%arg12 : memref<100000xf32, #tpu.memory_space<vmem>>)
      tpu.yield
    }) : () -> ()
    %scan3A_45 = arith.constant 0 : i32
    %scan3A_46 = arith.constant 0 : i32
    %scan3A_47 = arith.constant 64 : i32
    %scan3A_48 = arith.addi %scan3A_46, %scan3A_47 : i32
    %scan3A_49 = arith.constant 4 : i32
    scf.for %scan3A_121 = %scan3A_46 to %scan3A_48 step %scan3A_49  : i32 {
      %mul3A_122 = arith.constant 16 : i32
      %mul3A_123 = arith.muli %scan3A_121, %mul3A_122 : i32
      %multiple_of3A = tpu.assume_multiple %mul3A_123, 16 : i32
      %get3A_124 = arith.index_cast %multiple_of3A : i32 to index
      %get3A_125 = tpu.vector_load %arg11[%get3A_124] {strides = array<i32>} : memref<1024xi32, #tpu.memory_space<vmem>>, vector<16xi32>,
      %gather3A = tpu.vector_load_idx %arg12[%get3A_125] : memref<100000xf32, #tpu.memory_space<vmem>>[vector<16xi32>], vector<16xf32>,
      %mul3A_126 = arith.constant 2.000000e+00 : f32
      %mul3A_127 = vector.broadcast %mul3A_126 : f32 to vector<16xf32>
      %mul3A_128 = arith.mulf %gather3A, %mul3A_127 : vector<16xf32>
      %exp3A_129 = math.exp %mul3A_128 : vector<16xf32>
      %swap3A_130 = arith.index_cast %multiple_of3A : i32 to index
      %swap3A_131 = tpu.vector_load %arg13[%swap3A_130] {strides = array<i32>} : memref<1024xf32, #tpu.memory_space<vmem>>, vector<16xf32>,
      tpu.vector_store %arg13[%swap3A_130], %exp3A_129 {strides = array<i32>} : memref<1024xf32, #tpu.memory_space<vmem>>, vector<16xf32>,
      %scan3A_132 = arith.constant 1 : i32
      %scan3A_133 = arith.addi %scan3A_121, %scan3A_132 : i32
      %mul3A_134 = arith.constant 16 : i32
      %mul3A_135 = arith.muli %scan3A_133, %mul3A_134 : i32
      %multiple_of3A_136 = tpu.assume_multiple %mul3A_135, 16 : i32
      %get3A_137 = arith.index_cast %multiple_of3A_136 : i32 to index
      %get3A_138 = tpu.vector_load %arg11[%get3A_137] {strides = array<i32>} : memref<1024xi32, #tpu.memory_space<vmem>>, vector<16xi32>,
      %gather3A_139 = tpu.vector_load_idx %arg12[%get3A_138] : memref<100000xf32, #tpu.memory_space<vmem>>[vector<16xi32>], vector<16xf32>,
      %mul3A_140 = arith.constant 2.000000e+00 : f32
      %mul3A_141 = vector.broadcast %mul3A_140 : f32 to vector<16xf32>
      %mul3A_142 = arith.mulf %gather3A_139, %mul3A_141 : vector<16xf32>
      %exp3A_143 = math.exp %mul3A_142 : vector<16xf32>
      %swap3A_144 = arith.index_cast %multiple_of3A_136 : i32 to index
      %swap3A_145 = tpu.vector_load %arg13[%swap3A_144] {strides = array<i32>} : memref<1024xf32, #tpu.memory_space<vmem>>, vector<16xf32>,
      tpu.vector_store %arg13[%swap3A_144], %exp3A_143 {strides = array<i32>} : memref<1024xf32, #tpu.memory_space<vmem>>, vector<16xf32>,
      %scan3A_146 = arith.constant 2 : i32
      %scan3A_147 = arith.addi %scan3A_121, %scan3A_146 : i32
      %mul3A_148 = arith.constant 16 : i32
      %mul3A_149 = arith.muli %scan3A_147, %mul3A_148 : i32
      %multiple_of3A_150 = tpu.assume_multiple %mul3A_149, 16 : i32
      %get3A_151 = arith.index_cast %multiple_of3A_150 : i32 to index
      %get3A_152 = tpu.vector_load %arg11[%get3A_151] {strides = array<i32>} : memref<1024xi32, #tpu.memory_space<vmem>>, vector<16xi32>,
      %gather3A_153 = tpu.vector_load_idx %arg12[%get3A_152] : memref<100000xf32, #tpu.memory_space<vmem>>[vector<16xi32>], vector<16xf32>,
      %mul3A_154 = arith.constant 2.000000e+00 : f32
      %mul3A_155 = vector.broadcast %mul3A_154 : f32 to vector<16xf32>
      %mul3A_156 = arith.mulf %gather3A_153, %mul3A_155 : vector<16xf32>
      %exp3A_157 = math.exp %mul3A_156 : vector<16xf32>
      %swap3A_158 = arith.index_cast %multiple_of3A_150 : i32 to index
      %swap3A_159 = tpu.vector_load %arg13[%swap3A_158] {strides = array<i32>} : memref<1024xf32, #tpu.memory_space<vmem>>, vector<16xf32>,
      tpu.vector_store %arg13[%swap3A_158], %exp3A_157 {strides = array<i32>} : memref<1024xf32, #tpu.memory_space<vmem>>, vector<16xf32>,
      %scan3A_160 = arith.constant 3 : i32
      %scan3A_161 = arith.addi %scan3A_121, %scan3A_160 : i32
      %mul3A_162 = arith.constant 16 : i32
      %mul3A_163 = arith.muli %scan3A_161, %mul3A_162 : i32
      %multiple_of3A_164 = tpu.assume_multiple %mul3A_163, 16 : i32
      %get3A_165 = arith.index_cast %multiple_of3A_164 : i32 to index
      %get3A_166 = tpu.vector_load %arg11[%get3A_165] {strides = array<i32>} : memref<1024xi32, #tpu.memory_space<vmem>>, vector<16xi32>,
      %gather3A_167 = tpu.vector_load_idx %arg12[%get3A_166] : memref<100000xf32, #tpu.memory_space<vmem>>[vector<16xi32>], vector<16xf32>,
      %mul3A_168 = arith.constant 2.000000e+00 : f32
      %mul3A_169 = vector.broadcast %mul3A_168 : f32 to vector<16xf32>
      %mul3A_170 = arith.mulf %gather3A_167, %mul3A_169 : vector<16xf32>
      %exp3A_171 = math.exp %mul3A_170 : vector<16xf32>
      %swap3A_172 = arith.index_cast %multiple_of3A_164 : i32 to index
      %swap3A_173 = tpu.vector_load %arg13[%swap3A_172] {strides = array<i32>} : memref<1024xf32, #tpu.memory_space<vmem>>, vector<16xf32>,
      tpu.vector_store %arg13[%swap3A_172], %exp3A_171 {strides = array<i32>} : memref<1024xf32, #tpu.memory_space<vmem>>, vector<16xf32>,
    }
    %scan3A_50 = arith.constant 64 : i32
    %dma_wait3A = arith.constant 0 : i32
    %dma_wait3A_51 = tpu.memref_slice %arg7[%add3A_17, %dma_wait3A] : memref<64x1024xf32, #tpu.memory_space<hbm>> -> memref<1x1024xf32, #tpu.memory_space<hbm>>
    %dma_wait3A_52 = tpu.memref_squeeze %dma_wait3A_51 : memref<1x1024xf32, #tpu.memory_space<hbm>> -> memref<1024xf32, #tpu.memory_space<hbm>>
    %dma_wait3A_53 = arith.constant 0 : i32
    %dma_wait3A_54 = tpu.memref_slice %arg7[%add3A_17, %dma_wait3A_53] : memref<64x1024xf32, #tpu.memory_space<hbm>> -> memref<1x1024xf32, #tpu.memory_space<hbm>>
    %dma_wait3A_55 = tpu.memref_squeeze %dma_wait3A_54 : memref<1x1024xf32, #tpu.memory_space<hbm>> -> memref<1024xf32, #tpu.memory_space<hbm>>
    tpu.wait_dma2 semaphore(%arg18 : memref<!tpu.dma_semaphore, #tpu.memory_space<semaphore_mem>>) src(%arg13 : memref<1024xf32, #tpu.memory_space<vmem>>) dst(%dma_wait3A_55 : memref<1024xf32, #tpu.memory_space<hbm>>)
    %dma_start3A_56 = arith.constant 0 : i32
    %dma_start3A_57 = tpu.memref_slice %arg8[%add3A_44, %dma_start3A_56] : memref<64x1024xf32, #tpu.memory_space<hbm>> -> memref<1x1024xf32, #tpu.memory_space<hbm>>
    %dma_start3A_58 = tpu.memref_squeeze %dma_start3A_57 : memref<1x1024xf32, #tpu.memory_space<hbm>> -> memref<1024xf32, #tpu.memory_space<hbm>>
    %dma_start3A_59 = arith.constant 0 : i32
    %dma_start3A_60 = tpu.memref_slice %arg8[%add3A_44, %dma_start3A_59] : memref<64x1024xf32, #tpu.memory_space<hbm>> -> memref<1x1024xf32, #tpu.memory_space<hbm>>
    %dma_start3A_61 = tpu.memref_squeeze %dma_start3A_60 : memref<1x1024xf32, #tpu.memory_space<hbm>> -> memref<1024xf32, #tpu.memory_space<hbm>>
    tpu.enqueue_dma source(%arg13 : memref<1024xf32, #tpu.memory_space<vmem>>) target(%dma_start3A_61 : memref<1024xf32, #tpu.memory_space<hbm>>) target_semaphore(%arg18 : memref<!tpu.dma_semaphore, #tpu.memory_space<semaphore_mem>>)
    %add3A_62 = arith.constant 32 : i32
    %add3A_63 = arith.addi %add3A, %add3A_62 : i32
    "tpu.region"() ({
      %run_scoped3A = tpu.sem_alloc : memref<!tpu.dma_semaphore, #tpu.memory_space<semaphore_mem>>
      %dma_start3A_121 = arith.constant 0 : i32
      %dma_start3A_122 = tpu.memref_slice %arg4[%add3A_63, %dma_start3A_121] : memref<64x100000xf32, #tpu.memory_space<hbm>> -> memref<1x100000xf32, #tpu.memory_space<hbm>>
      %dma_start3A_123 = tpu.memref_squeeze %dma_start3A_122 : memref<1x100000xf32, #tpu.memory_space<hbm>> -> memref<100000xf32, #tpu.memory_space<hbm>>
      %dma_start3A_124 = arith.constant 0 : i32
      %dma_start3A_125 = tpu.memref_slice %arg4[%add3A_63, %dma_start3A_124] : memref<64x100000xf32, #tpu.memory_space<hbm>> -> memref<1x100000xf32, #tpu.memory_space<hbm>>
      %dma_start3A_126 = tpu.memref_squeeze %dma_start3A_125 : memref<1x100000xf32, #tpu.memory_space<hbm>> -> memref<100000xf32, #tpu.memory_space<hbm>>
      tpu.enqueue_dma source(%dma_start3A_126 : memref<100000xf32, #tpu.memory_space<hbm>>) target(%arg12 : memref<100000xf32, #tpu.memory_space<vmem>>) target_semaphore(%run_scoped3A : memref<!tpu.dma_semaphore, #tpu.memory_space<semaphore_mem>>)
      %dma_wait3A_127 = arith.constant 0 : i32
      %dma_wait3A_128 = tpu.memref_slice %arg4[%add3A_63, %dma_wait3A_127] : memref<64x100000xf32, #tpu.memory_space<hbm>> -> memref<1x100000xf32, #tpu.memory_space<hbm>>
      %dma_wait3A_129 = tpu.memref_squeeze %dma_wait3A_128 : memref<1x100000xf32, #tpu.memory_space<hbm>> -> memref<100000xf32, #tpu.memory_space<hbm>>
      %dma_wait3A_130 = arith.constant 0 : i32
      %dma_wait3A_131 = tpu.memref_slice %arg4[%add3A_63, %dma_wait3A_130] : memref<64x100000xf32, #tpu.memory_space<hbm>> -> memref<1x100000xf32, #tpu.memory_space<hbm>>
      %dma_wait3A_132 = tpu.memref_squeeze %dma_wait3A_131 : memref<1x100000xf32, #tpu.memory_space<hbm>> -> memref<100000xf32, #tpu.memory_space<hbm>>
      tpu.wait_dma2 semaphore(%run_scoped3A : memref<!tpu.dma_semaphore, #tpu.memory_space<semaphore_mem>>) src(%dma_wait3A_132 : memref<100000xf32, #tpu.memory_space<hbm>>) dst(%arg12 : memref<100000xf32, #tpu.memory_space<vmem>>)
      tpu.yield
    }) : () -> ()
    %scan3A_64 = arith.constant 0 : i32
    %scan3A_65 = arith.constant 0 : i32
    %scan3A_66 = arith.constant 64 : i32
    %scan3A_67 = arith.addi %scan3A_65, %scan3A_66 : i32
    %scan3A_68 = arith.constant 4 : i32
    scf.for %scan3A_121 = %scan3A_65 to %scan3A_67 step %scan3A_68  : i32 {
      %mul3A_122 = arith.constant 16 : i32
      %mul3A_123 = arith.muli %scan3A_121, %mul3A_122 : i32
      %multiple_of3A = tpu.assume_multiple %mul3A_123, 16 : i32
      %get3A_124 = arith.index_cast %multiple_of3A : i32 to index
      %get3A_125 = tpu.vector_load %arg11[%get3A_124] {strides = array<i32>} : memref<1024xi32, #tpu.memory_space<vmem>>, vector<16xi32>,
      %gather3A = tpu.vector_load_idx %arg12[%get3A_125] : memref<100000xf32, #tpu.memory_space<vmem>>[vector<16xi32>], vector<16xf32>,
      %mul3A_126 = arith.constant 2.000000e+00 : f32
      %mul3A_127 = vector.broadcast %mul3A_126 : f32 to vector<16xf32>
      %mul3A_128 = arith.mulf %gather3A, %mul3A_127 : vector<16xf32>
      %exp3A_129 = math.exp %mul3A_128 : vector<16xf32>
      %swap3A_130 = arith.index_cast %multiple_of3A : i32 to index
      %swap3A_131 = tpu.vector_load %arg14[%swap3A_130] {strides = array<i32>} : memref<1024xf32, #tpu.memory_space<vmem>>, vector<16xf32>,
      tpu.vector_store %arg14[%swap3A_130], %exp3A_129 {strides = array<i32>} : memref<1024xf32, #tpu.memory_space<vmem>>, vector<16xf32>,
      %scan3A_132 = arith.constant 1 : i32
      %scan3A_133 = arith.addi %scan3A_121, %scan3A_132 : i32
      %mul3A_134 = arith.constant 16 : i32
      %mul3A_135 = arith.muli %scan3A_133, %mul3A_134 : i32
      %multiple_of3A_136 = tpu.assume_multiple %mul3A_135, 16 : i32
      %get3A_137 = arith.index_cast %multiple_of3A_136 : i32 to index
      %get3A_138 = tpu.vector_load %arg11[%get3A_137] {strides = array<i32>} : memref<1024xi32, #tpu.memory_space<vmem>>, vector<16xi32>,
      %gather3A_139 = tpu.vector_load_idx %arg12[%get3A_138] : memref<100000xf32, #tpu.memory_space<vmem>>[vector<16xi32>], vector<16xf32>,
      %mul3A_140 = arith.constant 2.000000e+00 : f32
      %mul3A_141 = vector.broadcast %mul3A_140 : f32 to vector<16xf32>
      %mul3A_142 = arith.mulf %gather3A_139, %mul3A_141 : vector<16xf32>
      %exp3A_143 = math.exp %mul3A_142 : vector<16xf32>
      %swap3A_144 = arith.index_cast %multiple_of3A_136 : i32 to index
      %swap3A_145 = tpu.vector_load %arg14[%swap3A_144] {strides = array<i32>} : memref<1024xf32, #tpu.memory_space<vmem>>, vector<16xf32>,
      tpu.vector_store %arg14[%swap3A_144], %exp3A_143 {strides = array<i32>} : memref<1024xf32, #tpu.memory_space<vmem>>, vector<16xf32>,
      %scan3A_146 = arith.constant 2 : i32
      %scan3A_147 = arith.addi %scan3A_121, %scan3A_146 : i32
      %mul3A_148 = arith.constant 16 : i32
      %mul3A_149 = arith.muli %scan3A_147, %mul3A_148 : i32
      %multiple_of3A_150 = tpu.assume_multiple %mul3A_149, 16 : i32
      %get3A_151 = arith.index_cast %multiple_of3A_150 : i32 to index
      %get3A_152 = tpu.vector_load %arg11[%get3A_151] {strides = array<i32>} : memref<1024xi32, #tpu.memory_space<vmem>>, vector<16xi32>,
      %gather3A_153 = tpu.vector_load_idx %arg12[%get3A_152] : memref<100000xf32, #tpu.memory_space<vmem>>[vector<16xi32>], vector<16xf32>,
      %mul3A_154 = arith.constant 2.000000e+00 : f32
      %mul3A_155 = vector.broadcast %mul3A_154 : f32 to vector<16xf32>
      %mul3A_156 = arith.mulf %gather3A_153, %mul3A_155 : vector<16xf32>
      %exp3A_157 = math.exp %mul3A_156 : vector<16xf32>
      %swap3A_158 = arith.index_cast %multiple_of3A_150 : i32 to index
      %swap3A_159 = tpu.vector_load %arg14[%swap3A_158] {strides = array<i32>} : memref<1024xf32, #tpu.memory_space<vmem>>, vector<16xf32>,
      tpu.vector_store %arg14[%swap3A_158], %exp3A_157 {strides = array<i32>} : memref<1024xf32, #tpu.memory_space<vmem>>, vector<16xf32>,
      %scan3A_160 = arith.constant 3 : i32
      %scan3A_161 = arith.addi %scan3A_121, %scan3A_160 : i32
      %mul3A_162 = arith.constant 16 : i32
      %mul3A_163 = arith.muli %scan3A_161, %mul3A_162 : i32
      %multiple_of3A_164 = tpu.assume_multiple %mul3A_163, 16 : i32
      %get3A_165 = arith.index_cast %multiple_of3A_164 : i32 to index
      %get3A_166 = tpu.vector_load %arg11[%get3A_165] {strides = array<i32>} : memref<1024xi32, #tpu.memory_space<vmem>>, vector<16xi32>,
      %gather3A_167 = tpu.vector_load_idx %arg12[%get3A_166] : memref<100000xf32, #tpu.memory_space<vmem>>[vector<16xi32>], vector<16xf32>,
      %mul3A_168 = arith.constant 2.000000e+00 : f32
      %mul3A_169 = vector.broadcast %mul3A_168 : f32 to vector<16xf32>
      %mul3A_170 = arith.mulf %gather3A_167, %mul3A_169 : vector<16xf32>
      %exp3A_171 = math.exp %mul3A_170 : vector<16xf32>
      %swap3A_172 = arith.index_cast %multiple_of3A_164 : i32 to index
      %swap3A_173 = tpu.vector_load %arg14[%swap3A_172] {strides = array<i32>} : memref<1024xf32, #tpu.memory_space<vmem>>, vector<16xf32>,
      tpu.vector_store %arg14[%swap3A_172], %exp3A_171 {strides = array<i32>} : memref<1024xf32, #tpu.memory_space<vmem>>, vector<16xf32>,
    }
    %scan3A_69 = arith.constant 64 : i32
    %dma_wait3A_70 = arith.constant 0 : i32
    %dma_wait3A_71 = tpu.memref_slice %arg7[%add3A_30, %dma_wait3A_70] : memref<64x1024xf32, #tpu.memory_space<hbm>> -> memref<1x1024xf32, #tpu.memory_space<hbm>>
    %dma_wait3A_72 = tpu.memref_squeeze %dma_wait3A_71 : memref<1x1024xf32, #tpu.memory_space<hbm>> -> memref<1024xf32, #tpu.memory_space<hbm>>
    %dma_wait3A_73 = arith.constant 0 : i32
    %dma_wait3A_74 = tpu.memref_slice %arg7[%add3A_30, %dma_wait3A_73] : memref<64x1024xf32, #tpu.memory_space<hbm>> -> memref<1x1024xf32, #tpu.memory_space<hbm>>
    %dma_wait3A_75 = tpu.memref_squeeze %dma_wait3A_74 : memref<1x1024xf32, #tpu.memory_space<hbm>> -> memref<1024xf32, #tpu.memory_space<hbm>>
    tpu.wait_dma2 semaphore(%arg18 : memref<!tpu.dma_semaphore, #tpu.memory_space<semaphore_mem>>) src(%arg14 : memref<1024xf32, #tpu.memory_space<vmem>>) dst(%dma_wait3A_75 : memref<1024xf32, #tpu.memory_space<hbm>>)
    %dma_start3A_76 = arith.constant 0 : i32
    %dma_start3A_77 = tpu.memref_slice %arg8[%add3A_63, %dma_start3A_76] : memref<64x1024xf32, #tpu.memory_space<hbm>> -> memref<1x1024xf32, #tpu.memory_space<hbm>>
    %dma_start3A_78 = tpu.memref_squeeze %dma_start3A_77 : memref<1x1024xf32, #tpu.memory_space<hbm>> -> memref<1024xf32, #tpu.memory_space<hbm>>
    %dma_start3A_79 = arith.constant 0 : i32
    %dma_start3A_80 = tpu.memref_slice %arg8[%add3A_63, %dma_start3A_79] : memref<64x1024xf32, #tpu.memory_space<hbm>> -> memref<1x1024xf32, #tpu.memory_space<hbm>>
    %dma_start3A_81 = tpu.memref_squeeze %dma_start3A_80 : memref<1x1024xf32, #tpu.memory_space<hbm>> -> memref<1024xf32, #tpu.memory_space<hbm>>
    tpu.enqueue_dma source(%arg14 : memref<1024xf32, #tpu.memory_space<vmem>>) target(%dma_start3A_81 : memref<1024xf32, #tpu.memory_space<hbm>>) target_semaphore(%arg18 : memref<!tpu.dma_semaphore, #tpu.memory_space<semaphore_mem>>)
    %dma_wait3A_82 = arith.constant 0 : i32
    %dma_wait3A_83 = tpu.memref_slice %arg11[%mul3A_2] : memref<1024xi32, #tpu.memory_space<vmem>> -> memref<32xi32, #tpu.memory_space<vmem>>
    %dma_wait3A_84 = arith.constant 0 : i32
    %dma_wait3A_85 = tpu.memref_slice %arg5[%dma_wait3A_82, %dma_wait3A_84] : memref<1x100000xf32, #tpu.memory_space<hbm>> -> memref<1x100000xf32, #tpu.memory_space<hbm>>
    %dma_wait3A_86 = tpu.memref_squeeze %dma_wait3A_85 : memref<1x100000xf32, #tpu.memory_space<hbm>> -> memref<100000xf32, #tpu.memory_space<hbm>>
    %dma_wait3A_87 = arith.constant 0 : i32
    %dma_wait3A_88 = tpu.memref_slice %dma_wait3A_86[%dma_wait3A_87] : memref<100000xf32, #tpu.memory_space<hbm>> -> memref<100000xf32, #tpu.memory_space<hbm>>
    tpu.wait_indirect_dma semaphore(%arg17 : memref<!tpu.dma_semaphore, #tpu.memory_space<semaphore_mem>>) src(%dma_wait3A_88 : memref<100000xf32, #tpu.memory_space<hbm>>) dst(%arg15 : memref<32xf32, #tpu.memory_space<vmem>>)
    %dma_wait3A_89 = arith.constant 0 : i32
    %dma_wait3A_90 = tpu.memref_slice %arg11[%mul3A_2] : memref<1024xi32, #tpu.memory_space<vmem>> -> memref<32xi32, #tpu.memory_space<vmem>>
    %dma_wait3A_91 = arith.constant 0 : i32
    %dma_wait3A_92 = tpu.memref_slice %arg6[%dma_wait3A_89, %dma_wait3A_91] : memref<1x100000xf32, #tpu.memory_space<hbm>> -> memref<1x100000xf32, #tpu.memory_space<hbm>>
    %dma_wait3A_93 = tpu.memref_squeeze %dma_wait3A_92 : memref<1x100000xf32, #tpu.memory_space<hbm>> -> memref<100000xf32, #tpu.memory_space<hbm>>
    %dma_wait3A_94 = arith.constant 0 : i32
    %dma_wait3A_95 = tpu.memref_slice %dma_wait3A_93[%dma_wait3A_94] : memref<100000xf32, #tpu.memory_space<hbm>> -> memref<100000xf32, #tpu.memory_space<hbm>>
    tpu.wait_indirect_dma semaphore(%arg17 : memref<!tpu.dma_semaphore, #tpu.memory_space<semaphore_mem>>) src(%dma_wait3A_95 : memref<100000xf32, #tpu.memory_space<hbm>>) dst(%arg16 : memref<32xf32, #tpu.memory_space<vmem>>)
    %get3A = arith.constant 0 : index
    %get3A_96 = tpu.vector_load %arg16[%get3A] {strides = array<i32>} : memref<32xf32, #tpu.memory_space<vmem>>, vector<16xf32>,
    %mul3A_97 = arith.constant 2.000000e+00 : f32
    %mul3A_98 = vector.broadcast %mul3A_97 : f32 to vector<16xf32>
    %mul3A_99 = arith.mulf %get3A_96, %mul3A_98 : vector<16xf32>
    %exp3A = math.exp %mul3A_99 : vector<16xf32>
    %swap3A = arith.constant 0 : index
    %swap3A_100 = tpu.vector_load %arg16[%swap3A] {strides = array<i32>} : memref<32xf32, #tpu.memory_space<vmem>>, vector<16xf32>,
    tpu.vector_store %arg16[%swap3A], %exp3A {strides = array<i32>} : memref<32xf32, #tpu.memory_space<vmem>>, vector<16xf32>,
    %get3A_101 = arith.constant 16 : index
    %get3A_102 = tpu.vector_load %arg16[%get3A_101] {strides = array<i32>} : memref<32xf32, #tpu.memory_space<vmem>>, vector<16xf32>,
    %mul3A_103 = arith.constant 2.000000e+00 : f32
    %mul3A_104 = vector.broadcast %mul3A_103 : f32 to vector<16xf32>
    %mul3A_105 = arith.mulf %get3A_102, %mul3A_104 : vector<16xf32>
    %exp3A_106 = math.exp %mul3A_105 : vector<16xf32>
    %swap3A_107 = arith.constant 16 : index
    %swap3A_108 = tpu.vector_load %arg16[%swap3A_107] {strides = array<i32>} : memref<32xf32, #tpu.memory_space<vmem>>, vector<16xf32>,
    tpu.vector_store %arg16[%swap3A_107], %exp3A_106 {strides = array<i32>} : memref<32xf32, #tpu.memory_space<vmem>>, vector<16xf32>,
    "tpu.region"() ({
      %run_scoped3A = tpu.sem_alloc : memref<!tpu.dma_semaphore, #tpu.memory_space<semaphore_mem>>
      %dma_start3A_121 = tpu.memref_slice %arg9[%mul3A_2] : memref<1024xf32, #tpu.memory_space<hbm>> -> memref<32xf32, #tpu.memory_space<hbm>>
      %dma_start3A_122 = tpu.memref_slice %arg9[%mul3A_2] : memref<1024xf32, #tpu.memory_space<hbm>> -> memref<32xf32, #tpu.memory_space<hbm>>
      tpu.enqueue_dma source(%arg15 : memref<32xf32, #tpu.memory_space<vmem>>) target(%dma_start3A_122 : memref<32xf32, #tpu.memory_space<hbm>>) target_semaphore(%run_scoped3A : memref<!tpu.dma_semaphore, #tpu.memory_space<semaphore_mem>>)
      %dma_wait3A_123 = tpu.memref_slice %arg9[%mul3A_2] : memref<1024xf32, #tpu.memory_space<hbm>> -> memref<32xf32, #tpu.memory_space<hbm>>
      %dma_wait3A_124 = tpu.memref_slice %arg9[%mul3A_2] : memref<1024xf32, #tpu.memory_space<hbm>> -> memref<32xf32, #tpu.memory_space<hbm>>
      tpu.wait_dma2 semaphore(%run_scoped3A : memref<!tpu.dma_semaphore, #tpu.memory_space<semaphore_mem>>) src(%arg15 : memref<32xf32, #tpu.memory_space<vmem>>) dst(%dma_wait3A_124 : memref<32xf32, #tpu.memory_space<hbm>>)
      tpu.yield
    }) : () -> ()
    "tpu.region"() ({
      %run_scoped3A = tpu.sem_alloc : memref<!tpu.dma_semaphore, #tpu.memory_space<semaphore_mem>>
      %dma_start3A_121 = tpu.memref_slice %arg10[%mul3A_2] : memref<1024xf32, #tpu.memory_space<hbm>> -> memref<32xf32, #tpu.memory_space<hbm>>
      %dma_start3A_122 = tpu.memref_slice %arg10[%mul3A_2] : memref<1024xf32, #tpu.memory_space<hbm>> -> memref<32xf32, #tpu.memory_space<hbm>>
      tpu.enqueue_dma source(%arg16 : memref<32xf32, #tpu.memory_space<vmem>>) target(%dma_start3A_122 : memref<32xf32, #tpu.memory_space<hbm>>) target_semaphore(%run_scoped3A : memref<!tpu.dma_semaphore, #tpu.memory_space<semaphore_mem>>)
      %dma_wait3A_123 = tpu.memref_slice %arg10[%mul3A_2] : memref<1024xf32, #tpu.memory_space<hbm>> -> memref<32xf32, #tpu.memory_space<hbm>>
      %dma_wait3A_124 = tpu.memref_slice %arg10[%mul3A_2] : memref<1024xf32, #tpu.memory_space<hbm>> -> memref<32xf32, #tpu.memory_space<hbm>>
      tpu.wait_dma2 semaphore(%run_scoped3A : memref<!tpu.dma_semaphore, #tpu.memory_space<semaphore_mem>>) src(%arg16 : memref<32xf32, #tpu.memory_space<vmem>>) dst(%dma_wait3A_124 : memref<32xf32, #tpu.memory_space<hbm>>)
      tpu.yield
    }) : () -> ()
    %dma_wait3A_109 = arith.constant 0 : i32
    %dma_wait3A_110 = tpu.memref_slice %arg8[%add3A_44, %dma_wait3A_109] : memref<64x1024xf32, #tpu.memory_space<hbm>> -> memref<1x1024xf32, #tpu.memory_space<hbm>>
    %dma_wait3A_111 = tpu.memref_squeeze %dma_wait3A_110 : memref<1x1024xf32, #tpu.memory_space<hbm>> -> memref<1024xf32, #tpu.memory_space<hbm>>
    %dma_wait3A_112 = arith.constant 0 : i32
    %dma_wait3A_113 = tpu.memref_slice %arg8[%add3A_44, %dma_wait3A_112] : memref<64x1024xf32, #tpu.memory_space<hbm>> -> memref<1x1024xf32, #tpu.memory_space<hbm>>
    %dma_wait3A_114 = tpu.memref_squeeze %dma_wait3A_113 : memref<1x1024xf32, #tpu.memory_space<hbm>> -> memref<1024xf32, #tpu.memory_space<hbm>>
    tpu.wait_dma2 semaphore(%arg18 : memref<!tpu.dma_semaphore, #tpu.memory_space<semaphore_mem>>) src(%arg13 : memref<1024xf32, #tpu.memory_space<vmem>>) dst(%dma_wait3A_114 : memref<1024xf32, #tpu.memory_space<hbm>>)
    %dma_wait3A_115 = arith.constant 0 : i32
    %dma_wait3A_116 = tpu.memref_slice %arg8[%add3A_63, %dma_wait3A_115] : memref<64x1024xf32, #tpu.memory_space<hbm>> -> memref<1x1024xf32, #tpu.memory_space<hbm>>
    %dma_wait3A_117 = tpu.memref_squeeze %dma_wait3A_116 : memref<1x1024xf32, #tpu.memory_space<hbm>> -> memref<1024xf32, #tpu.memory_space<hbm>>
    %dma_wait3A_118 = arith.constant 0 : i32
    %dma_wait3A_119 = tpu.memref_slice %arg8[%add3A_63, %dma_wait3A_118] : memref<64x1024xf32, #tpu.memory_space<hbm>> -> memref<1x1024xf32, #tpu.memory_space<hbm>>
    %dma_wait3A_120 = tpu.memref_squeeze %dma_wait3A_119 : memref<1x1024xf32, #tpu.memory_space<hbm>> -> memref<1024xf32, #tpu.memory_space<hbm>>
    tpu.wait_dma2 semaphore(%arg18 : memref<!tpu.dma_semaphore, #tpu.memory_space<semaphore_mem>>) src(%arg14 : memref<1024xf32, #tpu.memory_space<vmem>>) dst(%dma_wait3A_120 : memref<1024xf32, #tpu.memory_space<hbm>>)
    return
  }
}

</mosaic_0001>

<sc_bundles>
// kernel: kernel.3.cloned.1.call-start
scs
__scs_entry_jumppad:
0x0: {  	(pc) =	sbr.rel $0x88, $3  }
0x1: {  	(tag) =	ssettag $0x0;
	lr =	simm.s32 $0x1  }
0x2: {  	[smem:$0x3F9C] =	sst lr;
	_ =	strace $0xD0000000  }
0x3: {  	_ = 	snop  }
0x4: {  	_ = 	snop  }
0x5: {  	_ = 	snop  }
0x6: {  	_ = 	snop  }
0x7: {  	_ = 	snop  }
__scs_overlays_trampoline_lowered:
0x8: {  	[smem:$0x3FAB] =	sst s0  }
0x9: {  	[smem:$0x3FAC] =	sst s1  }
0xa: {  	[smem:$0x3FAD] =	sst s2  }
0xb: {  	[smem:$0x3FAE] =	sst s3  }
0xc: {  	[smem:$0x3FAF] =	sst s4  }
0xd: {  	[smem:$0x3FB0] =	sst s5  }
0xe: {  	[smem:$0x3FB1] =	sst s6  }
0xf: {  	[smem:$0x3FB2] =	sst s7  }
0x10: {  	[smem:$0x3FB3] =	sst s8  }
0x11: {  	[smem:$0x3FB4] =	sst s9;
	s0 =	simm.s32 @!p0 $0x0  }
0x12: {  	s1 =	sld [smem:$0x3F9A];
	s0 =	simm.s32 @p0 $0x1  }
0x13: {  	[smem:$0x3FB5] =	sst s0;
	s0 =	simm.s32 @!p1 $0x0  }
0x14: {  	s2 =	sld [smem:$0x3F99];
	s0 =	simm.s32 @p1 $0x1  }
0x15: {  	[smem:$0x3FB6] =	sst s0;
	s0 =	simm.s32 @!p2 $0x0  }
0x16: {  	s3 =	sld [smem:$0x3FDB];
	s0 =	simm.s32 @p2 $0x1  }
0x17: {  	s4 =	simm.s32 $0x1BF5;
	[smem:$0x3FB8] =	sst s0  }
0x18: {  	s0 =	sld [smem:$0x3F9B];
	_ =	swait.ge [sflag:s4], $0x0  }
0x19: {  	s7 =	sld [smem:$0x3F9C]  }
0x1a: {  	s8 =	sadd.s32 $0xFFFFE003, lr  }
0x1b: {  	s9 =	sadd.s32 $0xFFFFFEF7, lr;
	s5 =	simm.s32 $0xFFFFFFFF;
	p2 =	slt.u32 s8, $0xFFFFF086  }
0x1c: {  	p1 =	slt.u32 s9, $0xF7A;
	s5 =	simm.s32 @!p2 $0x0  }
0x1d: {  	s5 =	simm.s32 @p1 $0x1;
	p0 =	seq.s32 s7, s2  }
0x1e: {  	s7 =	smul.u32 @!p0 $0xF7A, s2;
	p2 =	seq.s32 @!p0 s5, $0x0  }
0x1f: {  	s9 =	smul.u32 $0xF7A, s1;
	s8 =	simm.s32 @!p0 $0x1BF5;
	p2 =	por !p2, p0  }
0x20: {  	[sflag:s8] =	ssyncset.s32 @!p0 $0xFFFFF086;
	s6 =	sadd.s32 @!p0 s3, s7;
	s7 =	simm.s32 @!p0 $0x108  }
0x21: {  	s3 =	sadd.s32 s3, s9;
	s6 =	sadd.s32 @!p0 $0x88, s6;
	s7 =	simm.s32 @p2 $0x1082  }
0x22: {  	[simem:s7], [sflag:s8] =	dma.local @!p0 [hbm:s6], $0xF7A  }
0x23: {  	s9 =	sor.u32 $0xD0000000, s2;
	s6 =	simm.s32 $0x108;
	_ =	swait.ge @!p0 [sflag:s8], $0x0  }
0x24: {  	s3 =	sadd.s32 $0x88, s3;
	s6 =	simm.s32 @!p1 $0x1082;
	[sflag:s4] =	ssyncset.s32 $0xFFFFF086  }
0x25: {  	[simem:s6], [sflag:s4] =	dma.local [hbm:s3], $0xF7A  }
0x26: {  	[smem:$0x3F9C] =	sst s1;
	(tag) =	ssettag s2;
	_ =	strace s9  }
0x27: {  	s1 =	sld [smem:$0x3FAC]  }
0x28: {  	s2 =	sld [smem:$0x3FAD]  }
0x29: {  	s4 =	sld [smem:$0x3FAF]  }
0x2a: {  	p0 =	seq.s32 s5, $0x0;
	s5 =	sld [smem:$0x3FB0]  }
0x2b: {  	s6 =	sld [smem:$0x3FB1]  }
0x2c: {  	s7 =	sld [smem:$0x3FB2]  }
0x2d: {  	s3 =	simm.s32 $0x108;
	s8 =	sld [smem:$0x3FB3]  }
0x2e: {  	s3 =	simm.s32 @!p0 $0x1082;
	s9 =	sld [smem:$0x3FB4]  }
0x2f: {  	lr =	sadd.s32 s0, s3;
	s0 =	sld [smem:$0x3FAB]  }
0x30: {  	s3 =	sld [smem:$0x3FAE]  }
0x31: {  	[smem:$0x3FB7] =	sst s10  }
0x32: {  	s10 =	sld [smem:$0x3FB5];
	_ =	sdelay $0x3  }
0x33: {  	p0 =	seq.s32 s10, $0x1;
	s10 =	sld [smem:$0x3FB7];
	_ =	sdelay $0x3  }
0x34: {  	[smem:$0x3FB7] =	sst s10  }
0x35: {  	s10 =	sld [smem:$0x3FB6];
	_ =	sdelay $0x3  }
0x36: {  	p1 =	seq.s32 s10, $0x1;
	s10 =	sld [smem:$0x3FB7];
	_ =	sdelay $0x3  }
0x37: {  	[smem:$0x3FB7] =	sst s10  }
0x38: {  	s10 =	sld [smem:$0x3FB8]  }
0x39: {  	_ = 	snop;
	(pc) =	sbr.ind lr, $3  }
0x3a: {  	_ = 	snop  }
0x3b: {  	_ = 	snop  }
0x3c: {  	p2 =	seq.s32 s10, $0x1;
	s10 =	sld [smem:$0x3FB7]  }
0x3d: {  	_ =	shalt  }
0x3e: {  	_ =	shalt  }
0x3f: {  	_ =	shalt  }
0x40: {  	_ =	shalt  }
0x41: {  	_ =	shalt  }
0x42: {  	_ =	shalt  }
0x43: {  	_ =	shalt  }
0x44: {  	_ =	shalt  }
0x45: {  	_ =	shalt  }
0x46: {  	_ =	shalt  }
0x47: {  	_ =	shalt  }
0x48: {  	_ =	shalt  }
0x49: {  	_ =	shalt  }
0x4a: {  	_ =	shalt  }
0x4b: {  	_ =	shalt  }
0x4c: {  	_ =	shalt  }
0x4d: {  	_ =	shalt  }
0x4e: {  	_ =	shalt  }
0x4f: {  	_ =	shalt  }
0x50: {  	_ =	shalt  }
0x51: {  	_ =	shalt  }
0x52: {  	_ =	shalt  }
0x53: {  	_ =	shalt  }
0x54: {  	_ =	shalt  }
0x55: {  	_ =	shalt  }
0x56: {  	_ =	shalt  }
0x57: {  	_ =	shalt  }
0x58: {  	_ =	shalt  }
0x59: {  	_ =	shalt  }
0x5a: {  	_ =	shalt  }
0x5b: {  	_ =	shalt  }
0x5c: {  	_ =	shalt  }
0x5d: {  	_ =	shalt  }
0x5e: {  	_ =	shalt  }
0x5f: {  	_ =	shalt  }
0x60: {  	_ =	shalt  }
0x61: {  	_ =	shalt  }
0x62: {  	_ =	shalt  }
0x63: {  	_ =	shalt  }
0x64: {  	_ =	shalt  }
0x65: {  	_ =	shalt  }
0x66: {  	_ =	shalt  }
0x67: {  	_ =	shalt  }
0x68: {  	_ =	shalt  }
0x69: {  	_ =	shalt  }
0x6a: {  	_ =	shalt  }
0x6b: {  	_ =	shalt  }
0x6c: {  	_ =	shalt  }
0x6d: {  	_ =	shalt  }
0x6e: {  	_ =	shalt  }
0x6f: {  	_ =	shalt  }
0x70: {  	_ =	shalt  }
0x71: {  	_ =	shalt  }
0x72: {  	_ =	shalt  }
0x73: {  	_ =	shalt  }
0x74: {  	_ =	shalt  }
0x75: {  	_ =	shalt  }
0x76: {  	_ =	shalt  }
0x77: {  	_ =	shalt  }
0x78: {  	_ =	shalt  }
0x79: {  	_ =	shalt  }
0x7a: {  	_ =	shalt  }
0x7b: {  	_ =	shalt  }
0x7c: {  	_ =	shalt  }
0x7d: {  	_ =	shalt  }
0x7e: {  	_ =	shalt  }
0x7f: {  	_ =	shalt  }
0x80: {  	_ =	shalt  }
0x81: {  	_ =	shalt  }
0x82: {  	_ =	shalt  }
0x83: {  	_ =	shalt  }
0x84: {  	_ =	shalt  }
0x85: {  	_ =	shalt  }
0x86: {  	_ =	shalt  }
0x87: {  	_ =	shalt  }
.Lfunc_end0:
.L_simem_size_0:
called_computation_lowered:
.L_overlay_start_0:
0x88: {  	s2 =	sld [smem:$0x3FD9]  }
0x89: {  	s3 =	sld [smem:$0x3FFE];
	_ =	sdelay $0x1  }
0x8a: {  	s1 =	srdreg.scid  }
0x8b: {  	s0 =	sand.u32 $0x1, s1  }
0x8c: {  	s15 =	sshll.u32 s0, $0xA;
	s2 =	sadd.s32 s3, s2  }
0x8d: {  	s2 =	sadd.s32 s2, s15  }
0x8e: {  	[smem:$0x3FC3] =	sst s2  }
0x8f: {  	_ = 	snop  }
0x90: {  	s2 =	sld [smem:$0x3FC9]  }
0x91: {  	s16 =	sld [smem:$0x3FC8]  }
0x92: {  	s4 =	sld [smem:$0x3FD0]  }
0x93: {  	s5 =	sld [smem:$0x3FC7]  }
0x94: {  	s6 =	sld [smem:$0x3FC6]  }
0x95: {  	s8 =	simm.s32 $0xA;
	s9 =	simm.s32 $0x10;
	s7 =	sld [smem:$0x3FC5]  }
0x96: {  	[smem:s9], [sflag:s8] =	dma.local [hbm:s4], $0x1  }
0x97: {  	_ =	swait.eq [sflag:s8], $0x1  }
0x98: {  	s17 =	sld [smem:$0x10]  }
0x99: {  	s18 =	sld [smem:$0x11];
	[sflag:s8] =	ssyncset.done $0x0  }
0x9a: {  	s10 =	sld [smem:$0x12];
	[sflag:s8] =	ssyncadd.s32 $0xFFFFFFFF  }
0x9b: {  	s19 =	sld [smem:$0x13];
	(tm) =	ssettm $0x1  }
0x9c: {  	s11 =	sld [smem:$0x3FFB];
	_ =	sdelay $0x3  }
0x9d: {  	_ =	strace s11  }
0x9e: {  	s11 =	sld [smem:$0x3FFC];
	_ =	sdelay $0x3  }
0x9f: {  	_ =	strace s11  }
0xa0: {  	s11 =	sld [smem:$0x3FFD];
	_ =	sdelay $0x3  }
0xa1: {  	_ =	strace s11  }
0xa2: {  	_ =	strace $0x8FFFFFFF  }
0xa3: {  	s20 =	sld [smem:$0x3FDB];
	_ =	sdelay $0x1  }
0xa4: {  	s12 =	simm.s32 $_scs_section_size  }
0xa5: {  	s13 =	simm.s32 $_size__tile_overlayer_lowered;
	s14 =	simm.s32 $_tile_overlayer_lowered  }
0xa6: {  	s23 =	simm.s32 $0x1BFF;
	s22 =	sshll.u32 s14, $0x1;
	s11 =	sadd.s32 s12, s20  }
0xa7: {  	s21 =	sshll.u32 s13, $0x1;
	s15 =	simm.s32 $0x0;
	s13 =	sadd.s32 s22, s11  }
0xa8: {  	[timem:s15], [sflag:s23] =	dma.local [hbm:s13], s21  }
0xa9: {  	_ =	swait.ge [sflag:s23], s21  }
0xaa: {  	s12 =	ssub.s32 $0x0, s21;
	[sflag:s23] =	ssyncset.done $0x0  }
0xab: {  	[sflag:s23] =	ssyncadd.s32 s12;
	_ =	sdelay $0x1  }
0xac: {  	s24 =	simm.s32 $0x1B8B  }
0xad: {  	_ =	swait.ge [sflag:s24], $0x1  }
0xae: {  	[sflag:s24] =	ssyncset.done $0x0  }
0xaf: {  	s25 =	simm.s32 $0x1B8E;
	[sflag:s24] =	ssyncadd.s32 $0xFFFFFFFF  }
0xb0: {  	s26 =	simm.s32 $execute0_lowered;
	[smem:$0x3FD2] =	sst s25  }
0xb1: {  	s12 =	sshll.u32 s26, $0x1;
	_ =	strace $0x80000046;
	[dreg:$0x1] =	wrdreg $0xFFFFFFFF  }
0xb2: {  	s28 =	simm.s32 $_size_execute0_lowered;
	s11 =	sadd.s32 s11, s12;
	[dreg:$0x0] =	wrdreg $0x0  }
0xb3: {  	s12 =	sshll.u32 s28, $0x1;
	[dreg:$0x2] =	wrdreg s11  }
0xb4: {  	[dreg:$0x3] =	wrdreg s12  }
0xb5: {  	[dreg:$0x4] =	wrdreg $0xC0  }
0xb6: {  	_ =	task [dreg:s15], $0x5FFFF  }
0xb7: {  	[dreg:$0x1] =	wrdreg $0xFFFFFFFF  }
0xb8: {  	[dreg:$0x0] =	wrdreg $0x60  }
0xb9: {  	[dreg:$0x2] =	wrdreg s2  }
0xba: {  	[dreg:$0x3] =	wrdreg s16  }
0xbb: {  	[dreg:$0x4] =	wrdreg s5  }
0xbc: {  	[dreg:$0x5] =	wrdreg s6  }
0xbd: {  	[dreg:$0x6] =	wrdreg s7  }
0xbe: {  	[dreg:$0x7] =	wrdreg s17  }
0xbf: {  	[dreg:$0x8] =	wrdreg s18  }
0xc0: {  	[dreg:$0x9] =	wrdreg s10  }
0xc1: {  	[dreg:$0xa] =	wrdreg s19  }
0xc2: {  	[dreg:$0xb] =	wrdreg $0x9  }
0xc3: {  	_ =	task.clear_ibuf [dreg:s15], $0xCFFFF;
	_ =	strace $0x90000046  }
0xc4: {  	s29 =	simm.s32 $0x9;
	_ =	strace $0x80000048  }
0xc5: {  	_ =	swait.ge [sflag:s29], $0x1  }
0xc6: {  	[sflag:s29] =	ssyncadd.s32 $0xFFFFFFFF  }
0xc7: {  	_ =	strace $0x90000048  }
0xc8: {  	_ =	sfence  }
0xc9: {  	s30 =	sld [smem:$0x0];
	_ =	sdelay $0x2  }
0xca: {  	s31 =	sshll.u32 s1, $0xD;
	s1 =	sshrl.u32 s1, $0x2  }
0xcb: {  	s3 =	sand.u32 $0x4000, s31;
	s1 =	sadd.s32 s1, s30  }
0xcc: {  	s0 =	sor.u32 s3, s0;
	s1 =	sshll.u32 s1, $0x11  }
0xcd: {  	s0 =	sor.u32 s1, s0  }
0xce: {  	s0 =	sadd.s32 $0x8F2B, s0  }
0xcf: {  	[sflag:s0] =	ssyncadd.remote.s32 $0x1  }
0xd0: {  	_ =	sfence.sel $0xFFFF  }
0xd1: {  	[dreg:$0x0] =	wrdreg $0xFFFFFFFF;
	(pc) =	sbr.abs _section_cstart, $3  }
0xd2: {  	[dreg:$0x1] =	wrdreg $0xFFFFFFFF  }
0xd3: {  	_ =	task.clear_ibuf [dreg:s15], $0x2FFFF;
	_ =	strace $0x9FFFFFFF  }
0xd4: {  	(tm) =	ssettm $0x7FFFFFFF  }
0xd5: {  	_ =	shalt  }
tec
execute0_lowered:
.L_overlay_start_1:
0x0: {  	(tag) =	ssettag $0x1  }
0x1: {  	s0 =	rddreg [dreg:$0x0]  }
0x2: {  	s9 =	rddreg [dreg:$0x1]  }
0x3: {  	s13 =	rddreg [dreg:$0x2]  }
0x4: {  	s2 =	rddreg [dreg:$0x3]  }
0x5: {  	s3 =	rddreg [dreg:$0x4]  }
0x6: {  	s10 =	rddreg [dreg:$0x5]  }
0x7: {  	s14 =	rddreg [dreg:$0x6]  }
0x8: {  	s15 =	rddreg [dreg:$0x7]  }
0x9: {  	s16 =	rddreg [dreg:$0x8]  }
0xa: {  	s1 =	rddreg [dreg:$0x9]  }
0xb: {  	s6 =	srdreg.scid;
	s4 =	stileid.u32  }
0xc: {  	s5 =	simm.s32 $0x0;
	s22 =	simm.s32 $0x400;
	s23 =	simm.s32 $0x18B00  }
0xd: {  	s24 =	simm.s32 $0x18F00;
	s25 =	simm.s32 $0x2;
	s26 =	simm.s32 $0x1  }
0xe: {  	s28 =	simm.s32 $0x0;
	s6 =	sand.u32 $0x1, s6;
	s7 =	sshll.u32 s4, $0x1  }
0xf: {  	[smem:$0x7FF] =	sst s5;
	s8 =	sshrl.u32 s4, $0x2;
	s17 =	sor.u32 s6, s7  }
0x10: {  	s6 =	ssub.s32 $0x2, s6;
	s11 =	smul.u32 $0xC3800, s8;
	_ =	strace $0x80000047  }
0x11: {  	s30 =	sor.u32 $0x4, s8;
	s8 =	sshll.u32 s8, $0xD;
	s7 =	sshll.u32 s17, $0x7  }
0x12: {  	s12 =	sshrl.u32 s6, $0x1;
	s20 =	smul.u32 $0xC3800, s30;
	s17 =	sshll.u32 s17, $0x2  }
0x13: {  	s18 =	sand.u32 $0x380, s7;
	s19 =	ssub.s32 s6, s12;
	s6 =	sshrl.u32 s7, $0x2  }
0x14: {  	s12 =	sshll.u32 s30, $0xD;
	s15 =	sadd.s32 s15, s17;
	s16 =	sadd.s32 s16, s17  }
0x15: {  	s11 =	sor.u32 s11, s18;
	s8 =	sor.u32 s8, s18;
	s20 =	sor.u32 s20, s18  }
0x16: {  	s12 =	sor.u32 s12, s18;
	s17 =	smax.u32 s19, $0x1;
	s18 =	simm.s32 $0x3  }
0x17: {  	s19 =	simm.s32 $0x19300;
	s11 =	sshrl.u32 s11, $0x3;
	s31 =	sshrl.u32 s8, $0x3  }
0x18: {  	s20 =	sshrl.u32 s20, $0x3;
	s21 =	sshrl.u32 s12, $0x3;
	s7 =	sadd.s32 s9, s11  }
0x19: {  	s8 =	sadd.s32 s10, s31;
	s9 =	sadd.s32 s9, s20;
	s10 =	sadd.s32 s10, s21  }
0x1a: {  	s11 =	sadd.s32 s13, s11;
	s12 =	sadd.s32 s14, s31;
	s13 =	sadd.s32 s13, s20  }
0x1b: {  	s14 =	sadd.s32 s14, s21;
	s20 =	simm.s32 $0x19380;
	s21 =	simm.s32 $0x80  }
.LBB2_1:
0x1c: {  	[tilespmem:s5], [sflag:$0x3] =	stream.linear.gather [hbm4b:s0+s5], $0x400, $0x38;
	[tilespmem:$0x19400] =	vst v63  }
0x1d: {  	_ =	swait.ge [sflag:s18], $0x400  }
0x1e: {  	[sflag:s18] =	ssyncset.done $0x0  }
0x1f: {  	s29 =	simm.s32 $0x20;
	[sflag:s18] =	ssyncadd.s32 $0xFFFFFC00  }
0x20: {  	[tilespmem:s19], [sflag:$0x1] =	stream.indirect.gather [hbm4b:s2+s29], $0x1, s6, s29, $0xb8;
	[tilespmem:$0x19400] =	vst v63  }
0x21: {  	_ = 	snop  }
0x22: {  	[tilespmem:s20], [sflag:$0x1] =	stream.indirect.gather [hbm4b:s3+s29], $0x1, s6, s29, $0xb8;
	[tilespmem:$0x19400] =	vst v63  }
0x23: {  	_ = 	snop  }
0x24: {  	[tilespmem:s22], [sflag:$0x3] =	stream.strided.gather [hbm4b:s7+s21], $0x18700, s22, s21, $0x38;
	[tilespmem:$0x19400] =	vst v63  }
0x25: {  	_ =	swait.ge [sflag:s18], $0x18700  }
0x26: {  	[sflag:s18] =	ssyncset.done $0x0  }
0x27: {  	s30 =	simm.s32 $0xFFFFFFFC;
	s31 =	simm.s32 $0x18B20;
	[sflag:s18] =	ssyncadd.s32 $0xFFFE7900  }
.LBB2_2:
0x28: {  	v0 =	vld [tilespmem:s29+$0xFFFFFFE0];
	_ =	sdelay $0x7  }
0x29: {  	v0 =	vld.idx.msk [tilespmem:v0+s22+$0x0], $0xffff;
	_ =	sdelay $0x4  }
0x2a: {  	[tilespmem:s31+$0xFFFFFFE0] =	vst v0  }
0x2b: {  	v0 =	vld [tilespmem:s29+$0xFFFFFFF0];
	_ =	sdelay $0x7  }
0x2c: {  	v0 =	vld.idx.msk [tilespmem:v0+s22+$0x0], $0xffff;
	_ =	sdelay $0x4  }
0x2d: {  	[tilespmem:s31+$0xFFFFFFF0] =	vst v0  }
0x2e: {  	v0 =	vld [tilespmem:s29+$0x0];
	_ =	sdelay $0x7  }
0x2f: {  	v0 =	vld.idx.msk [tilespmem:v0+s22+$0x0], $0xffff;
	_ =	sdelay $0x4  }
0x30: {  	[tilespmem:s31+$0x0] =	vst v0  }
0x31: {  	v0 =	vld [tilespmem:s29+$0x10];
	_ =	sdelay $0x6  }
0x32: {  	s30 =	sadd.s32 $0x4, s30  }
0x33: {  	p0 =	slt.u32 s30, $0x3C;
	v0 =	vld.idx.msk [tilespmem:v0+s22+$0x0], $0xffff  }
.Ltmp0:
0x34: {  	_ = 	snop;
	(pc) =	sbr.rel @p0 .LBB2_2-.Ltmp0, $2  }
0x35: {  	_ =	sdelay $0x2  }
0x36: {  	s29 =	sadd.s32 $0x40, s29;
	[tilespmem:s31+$0x10] =	vst v0;
	s31 =	sadd.s32 $0x40, s31  }
0x37: {  	[hbm4b:s8+s21] =	stream.strided.scatter [tilespmem:s23], [sflag:$0x2], $0x400, s22, s21, $0x38;
	[tilespmem:$0x19400] =	vst v63  }
0x38: {  	_ = 	snop  }
0x39: {  	[tilespmem:s22], [sflag:$0x3] =	stream.strided.gather [hbm4b:s9+s21], $0x18700, s22, s21, $0x38;
	[tilespmem:$0x19400] =	vst v63  }
0x3a: {  	_ =	swait.ge [sflag:s18], $0x18700  }
0x3b: {  	s29 =	simm.s32 $0xFFFFFFFC;
	[sflag:s18] =	ssyncset.done $0x0  }
0x3c: {  	s30 =	simm.s32 $0x18F20;
	s31 =	simm.s32 $0x20;
	[sflag:s18] =	ssyncadd.s32 $0xFFFE7900  }
.LBB2_4:
0x3d: {  	v0 =	vld [tilespmem:s31+$0xFFFFFFE0];
	_ =	sdelay $0x7  }
0x3e: {  	v0 =	vld.idx.msk [tilespmem:v0+s22+$0x0], $0xffff;
	_ =	sdelay $0x4  }
0x3f: {  	[tilespmem:s30+$0xFFFFFFE0] =	vst v0  }
0x40: {  	v0 =	vld [tilespmem:s31+$0xFFFFFFF0];
	_ =	sdelay $0x7  }
0x41: {  	v0 =	vld.idx.msk [tilespmem:v0+s22+$0x0], $0xffff;
	_ =	sdelay $0x4  }
0x42: {  	[tilespmem:s30+$0xFFFFFFF0] =	vst v0  }
0x43: {  	v0 =	vld [tilespmem:s31+$0x0];
	_ =	sdelay $0x7  }
0x44: {  	v0 =	vld.idx.msk [tilespmem:v0+s22+$0x0], $0xffff;
	_ =	sdelay $0x4  }
0x45: {  	[tilespmem:s30+$0x0] =	vst v0  }
0x46: {  	v0 =	vld [tilespmem:s31+$0x10];
	_ =	sdelay $0x6  }
0x47: {  	s29 =	sadd.s32 $0x4, s29  }
0x48: {  	p0 =	slt.u32 s29, $0x3C;
	v0 =	vld.idx.msk [tilespmem:v0+s22+$0x0], $0xffff  }
.Ltmp1:
0x49: {  	_ = 	snop;
	(pc) =	sbr.rel @p0 .LBB2_4-.Ltmp1, $2  }
0x4a: {  	_ =	sdelay $0x2  }
0x4b: {  	s31 =	sadd.s32 $0x40, s31;
	[tilespmem:s30+$0x10] =	vst v0;
	s30 =	sadd.s32 $0x40, s30  }
0x4c: {  	[hbm4b:s10+s21] =	stream.strided.scatter [tilespmem:s24], [sflag:$0x2], $0x400, s22, s21, $0x38;
	[tilespmem:$0x19400] =	vst v63  }
0x4d: {  	_ = 	snop  }
0x4e: {  	[tilespmem:s22], [sflag:$0x3] =	stream.strided.gather [hbm4b:s11+s21], $0x18700, s22, s21, $0x38;
	[tilespmem:$0x19400] =	vst v63  }
0x4f: {  	_ =	swait.ge [sflag:s18], $0x18700  }
0x50: {  	s29 =	simm.s32 $0xFFFFFFFC;
	[sflag:s18] =	ssyncset.done $0x0  }
0x51: {  	s30 =	simm.s32 $0x18B20;
	s31 =	simm.s32 $0x20;
	[sflag:s18] =	ssyncadd.s32 $0xFFFE7900  }
.LBB2_6:
0x52: {  	v0 =	vld [tilespmem:s31+$0xFFFFFFE0];
	_ =	sdelay $0x7  }
0x53: {  	v0 =	vld.idx.msk [tilespmem:v0+s22+$0x0], $0xffff;
	_ =	sdelay $0x4  }
0x54: {  	v0 =	vadd.f32 v0, v0;
	_ =	sdelay $0x1  }
0x55: {  	v0 =	vmul.f32 $1.442695020e+00, v0;
	_ =	sdelay $0x1  }
0x56: {  	(erf) = vpow2.f32 v0;
	_ =	sdelay $0x8  }
0x57: {  	v0 =	vpop (erf)  }
0x58: {  	[tilespmem:s30+$0xFFFFFFE0] =	vst v0  }
0x59: {  	v0 =	vld [tilespmem:s31+$0xFFFFFFF0];
	_ =	sdelay $0x7  }
0x5a: {  	v0 =	vld.idx.msk [tilespmem:v0+s22+$0x0], $0xffff;
	_ =	sdelay $0x4  }
0x5b: {  	v0 =	vadd.f32 v0, v0;
	_ =	sdelay $0x1  }
0x5c: {  	v0 =	vmul.f32 $1.442695020e+00, v0;
	_ =	sdelay $0x1  }
0x5d: {  	(erf) = vpow2.f32 v0;
	_ =	sdelay $0x8  }
0x5e: {  	v0 =	vpop (erf)  }
0x5f: {  	[tilespmem:s30+$0xFFFFFFF0] =	vst v0  }
0x60: {  	v0 =	vld [tilespmem:s31+$0x0];
	_ =	sdelay $0x7  }
0x61: {  	v0 =	vld.idx.msk [tilespmem:v0+s22+$0x0], $0xffff;
	_ =	sdelay $0x4  }
0x62: {  	v0 =	vadd.f32 v0, v0;
	_ =	sdelay $0x1  }
0x63: {  	v0 =	vmul.f32 $1.442695020e+00, v0;
	_ =	sdelay $0x1  }
0x64: {  	(erf) = vpow2.f32 v0;
	_ =	sdelay $0x8  }
0x65: {  	v0 =	vpop (erf)  }
0x66: {  	[tilespmem:s30+$0x0] =	vst v0  }
0x67: {  	v0 =	vld [tilespmem:s31+$0x10];
	_ =	sdelay $0x7  }
0x68: {  	v0 =	vld.idx.msk [tilespmem:v0+s22+$0x0], $0xffff;
	_ =	sdelay $0x4  }
0x69: {  	v0 =	vadd.f32 v0, v0;
	_ =	sdelay $0x1  }
0x6a: {  	v0 =	vmul.f32 $1.442695020e+00, v0;
	_ =	sdelay $0x1  }
0x6b: {  	(erf) = vpow2.f32 v0;
	_ =	sdelay $0x3  }
0x6c: {  	s29 =	sadd.s32 $0x4, s29  }
0x6d: {  	p0 =	slt.u32 s29, $0x3C  }
.Ltmp2:
0x6e: {  	_ = 	snop;
	(pc) =	sbr.rel @p0 .LBB2_6-.Ltmp2, $3  }
0x6f: {  	_ =	sdelay $0x1  }
0x70: {  	v0 =	vpop (erf)  }
0x71: {  	s31 =	sadd.s32 $0x40, s31;
	[tilespmem:s30+$0x10] =	vst v0;
	s30 =	sadd.s32 $0x40, s30  }
0x72: {  	_ =	swait.ge [sflag:s25], $0x400  }
0x73: {  	[sflag:s25] =	ssyncset.done $0x0  }
0x74: {  	[sflag:s25] =	ssyncadd.s32 $0xFFFFFC00  }
0x75: {  	[hbm4b:s12+s21] =	stream.strided.scatter [tilespmem:s23], [sflag:$0x2], $0x400, s22, s21, $0x38;
	[tilespmem:$0x19400] =	vst v63  }
0x76: {  	_ = 	snop  }
0x77: {  	[tilespmem:s22], [sflag:$0x3] =	stream.strided.gather [hbm4b:s13+s21], $0x18700, s22, s21, $0x38;
	[tilespmem:$0x19400] =	vst v63  }
0x78: {  	_ =	swait.ge [sflag:s18], $0x18700  }
0x79: {  	s29 =	simm.s32 $0xFFFFFFFC;
	[sflag:s18] =	ssyncset.done $0x0  }
0x7a: {  	s30 =	simm.s32 $0x18F20;
	s31 =	simm.s32 $0x20;
	[sflag:s18] =	ssyncadd.s32 $0xFFFE7900  }
.LBB2_8:
0x7b: {  	v0 =	vld [tilespmem:s31+$0xFFFFFFE0];
	_ =	sdelay $0x7  }
0x7c: {  	v0 =	vld.idx.msk [tilespmem:v0+s22+$0x0], $0xffff;
	_ =	sdelay $0x4  }
0x7d: {  	v0 =	vadd.f32 v0, v0;
	_ =	sdelay $0x1  }
0x7e: {  	v0 =	vmul.f32 $1.442695020e+00, v0;
	_ =	sdelay $0x1  }
0x7f: {  	(erf) = vpow2.f32 v0;
	_ =	sdelay $0x8  }
0x80: {  	v0 =	vpop (erf)  }
0x81: {  	[tilespmem:s30+$0xFFFFFFE0] =	vst v0  }
0x82: {  	v0 =	vld [tilespmem:s31+$0xFFFFFFF0];
	_ =	sdelay $0x7  }
0x83: {  	v0 =	vld.idx.msk [tilespmem:v0+s22+$0x0], $0xffff;
	_ =	sdelay $0x4  }
0x84: {  	v0 =	vadd.f32 v0, v0;
	_ =	sdelay $0x1  }
0x85: {  	v0 =	vmul.f32 $1.442695020e+00, v0;
	_ =	sdelay $0x1  }
0x86: {  	(erf) = vpow2.f32 v0;
	_ =	sdelay $0x8  }
0x87: {  	v0 =	vpop (erf)  }
0x88: {  	[tilespmem:s30+$0xFFFFFFF0] =	vst v0  }
0x89: {  	v0 =	vld [tilespmem:s31+$0x0];
	_ =	sdelay $0x7  }
0x8a: {  	v0 =	vld.idx.msk [tilespmem:v0+s22+$0x0], $0xffff;
	_ =	sdelay $0x4  }
0x8b: {  	v0 =	vadd.f32 v0, v0;
	_ =	sdelay $0x1  }
0x8c: {  	v0 =	vmul.f32 $1.442695020e+00, v0;
	_ =	sdelay $0x1  }
0x8d: {  	(erf) = vpow2.f32 v0;
	_ =	sdelay $0x8  }
0x8e: {  	v0 =	vpop (erf)  }
0x8f: {  	[tilespmem:s30+$0x0] =	vst v0  }
0x90: {  	v0 =	vld [tilespmem:s31+$0x10];
	_ =	sdelay $0x7  }
0x91: {  	v0 =	vld.idx.msk [tilespmem:v0+s22+$0x0], $0xffff;
	_ =	sdelay $0x4  }
0x92: {  	v0 =	vadd.f32 v0, v0;
	_ =	sdelay $0x1  }
0x93: {  	v0 =	vmul.f32 $1.442695020e+00, v0;
	_ =	sdelay $0x1  }
0x94: {  	(erf) = vpow2.f32 v0;
	_ =	sdelay $0x3  }
0x95: {  	s29 =	sadd.s32 $0x4, s29  }
0x96: {  	p0 =	slt.u32 s29, $0x3C  }
.Ltmp3:
0x97: {  	_ = 	snop;
	(pc) =	sbr.rel @p0 .LBB2_8-.Ltmp3, $3  }
0x98: {  	_ =	sdelay $0x1  }
0x99: {  	v0 =	vpop (erf)  }
0x9a: {  	s31 =	sadd.s32 $0x40, s31;
	[tilespmem:s30+$0x10] =	vst v0;
	s30 =	sadd.s32 $0x40, s30  }
0x9b: {  	_ =	swait.ge [sflag:s25], $0x400  }
0x9c: {  	[sflag:s25] =	ssyncset.done $0x0  }
0x9d: {  	[sflag:s25] =	ssyncadd.s32 $0xFFFFFC00  }
0x9e: {  	[hbm4b:s14+s21] =	stream.strided.scatter [tilespmem:s24], [sflag:$0x2], $0x400, s22, s21, $0x38;
	[tilespmem:$0x19400] =	vst v63  }
0x9f: {  	_ =	swait.ge [sflag:s26], $0x20  }
0xa0: {  	[sflag:s26] =	ssyncset.done $0x0  }
0xa1: {  	[sflag:s26] =	ssyncadd.s32 $0xFFFFFFE0  }
0xa2: {  	_ =	swait.ge [sflag:s26], $0x20  }
0xa3: {  	[sflag:s26] =	ssyncset.done $0x0  }
0xa4: {  	[sflag:s26] =	ssyncadd.s32 $0xFFFFFFE0  }
0xa5: {  	v0 =	vld [tilespmem:$0x19380]  }
0xa6: {  	v1 =	vld [tilespmem:$0x19390];
	_ =	sdelay $0x3  }
0xa7: {  	v0 =	vadd.f32 v0, v0  }
0xa8: {  	v1 =	vadd.f32 v1, v1  }
0xa9: {  	v0 =	vmul.f32 $1.442695020e+00, v0  }
0xaa: {  	v1 =	vmul.f32 $1.442695020e+00, v1  }
0xab: {  	(erf) = vpow2.f32 v0  }
0xac: {  	(erf) = vpow2.f32 v1;
	_ =	sdelay $0x7  }
0xad: {  	v0 =	vpop (erf)  }
0xae: {  	[tilespmem:$0x19380] =	vst v0;
	v63 =	vpop (erf)  }
0xaf: {  	[tilespmem:$0x19390] =	vst v63  }
0xb0: {  	[hbm4b:s15+s5] =	stream.linear.scatter [tilespmem:s19], [sflag:$0x3], $0x20, $0x38;
	[tilespmem:$0x19400] =	vst v63  }
0xb1: {  	_ =	swait.ge [sflag:s18], $0x20  }
0xb2: {  	[sflag:s18] =	ssyncset.done $0x0  }
0xb3: {  	[sflag:s18] =	ssyncadd.s32 $0xFFFFFFE0  }
0xb4: {  	[hbm4b:s16+s5] =	stream.linear.scatter [tilespmem:s20], [sflag:$0x3], $0x20, $0x38;
	[tilespmem:$0x19400] =	vst v63  }
0xb5: {  	_ =	swait.ge [sflag:s18], $0x20  }
0xb6: {  	[sflag:s18] =	ssyncset.done $0x0  }
0xb7: {  	s28 =	sadd.s32 $0x1, s28;
	[sflag:s18] =	ssyncadd.s32 $0xFFFFFFE0  }
0xb8: {  	p0 =	sne.s32 s28, s17;
	_ =	swait.ge [sflag:s25], $0x400  }
.Ltmp4:
0xb9: {  	[sflag:s25] =	ssyncset.done $0x0;
	(pc) =	sbr.rel @p0 .LBB2_1-.Ltmp4, $4  }
0xba: {  	[sflag:s25] =	ssyncadd.s32 $0xFFFFFC00  }
0xbb: {  	_ =	swait.ge [sflag:s25], $0x400  }
0xbc: {  	[sflag:s25] =	ssyncset.done $0x0  }
0xbd: {  	[sflag:s25] =	ssyncadd.s32 $0xFFFFFC00  }
0xbe: {  	_ =	sfence.sel $0x180000  }
0xbf: {  	[bflag:$0x0] =	sbarrier.arrive $0xFFFF  }
0xc0: {  	p0 =	sne.s32 s4, $0x0;
	_ =	strace $0x90000047  }
0xc1: {  	s0 =	sadd.s32 @!p0 $0x100000, s1;
	[bflag:$0x2] =	sbarrier.arrive $0xFFFF  }
0xc2: {  	[sflag:s0] =	ssyncadd.tile.s32 @!p0 $0x1;
	_ =	shalt  }
.Lfunc_end2:
_tile_overlayer_lowered:
.L_overlay_start_2:
0xc3: {  	(tag) =	ssettag $0x2  }
0xc4: {  	s0 =	rddreg [dreg:$0x0];
	s2 =	stileid.u32  }
0xc5: {  	s1 =	rddreg [dreg:$0x1];
	p0 =	sne.s32 s2, $0x0  }
0xc6: {  	s3 =	rddreg [dreg:$0x2];
	[bflag:$0x3] =	sbarrier.arrive $0xFFFF;
	s2 =	simm.s32 @!p0 $0x1C03  }
0xc7: {  	[timem:s3], [sflag:s2] =	dma.local @!p0 [hbm:s0], s1  }
0xc8: {  	s0 =	simm.s32 @!p0 $0x3  }
0xc9: {  	_ =	swait.ge @!p0 [sflag:s0], s1  }
0xca: {  	s1 =	ssub.s32 @!p0 $0x0, s1;
	[sflag:s0] =	ssyncset.done @!p0 $0x0  }
0xcb: {  	[sflag:s0] =	ssyncadd.s32 @!p0 s1  }
0xcc: {  	[bflag:$0x3] =	sbarrier.arrive $0xFFFF  }
0xcd: {  	_ =	shalt  }

</sc_bundles>
